<compile_context>
chip_gen: v7x
topology: tpu7x:2x2x1
jax: 0.10.2.dev20260603
libtpu: 0.0.44.dev20260713+nightly
codegen_flags: <defaults>
</compile_context>

<pallas_src>
import dataclasses

import jax
import jax.numpy as jnp
from jax import lax
from jax.experimental import pallas as pl
from jax.experimental.pallas import tpu as pltpu
from jax.experimental.pallas import tpu_sc as plsc

N = 10000
E = 320000
D = 128

NC = 2
NS = 16
NW = NC * NS

CHUNK = 128
NCHT = E // CHUNK
CPT = NCHT // NW
NXTRA = NCHT - CPT * NW
NHALF = 2
HCH = CPT // NHALF
RPT = 624
RREM = N - RPT * NS

BR = 1024
_PREC = jax.lax.Precision.DEFAULT
NBUF = 2


def _sc_params():
    cp = pltpu.CompilerParams()
    if "needs_layout_passes" in pltpu.CompilerParams.__dataclass_fields__:
        cp = dataclasses.replace(cp, needs_layout_passes=False)
    return cp


def _deg_body(ei_hbm, hist_hbm, ei_v, xi_v, hsrc_v, hdst_v):
    cid = lax.axis_index("c")
    sid = lax.axis_index("s")
    wid = cid * NS + sid

    pltpu.sync_copy(
        ei_hbm.at[pl.ds(0, 2), pl.ds(wid * (CPT * CHUNK), CPT * CHUNK)], ei_v)

    zeros = jnp.zeros((16,), jnp.float32)

    @pl.loop(0, N, step=16)
    def _(i):
        hsrc_v[pl.ds(i, 16)] = zeros
        hdst_v[pl.ds(i, 16)] = zeros

    ones = jnp.ones((16,), jnp.float32)

    @pl.loop(0, CPT * CHUNK, step=64)
    def _(j):
        for u in range(4):
            plsc.addupdate_scatter(hsrc_v, [ei_v[0, pl.ds(j + u * 16, 16)]],
                                   ones)
            plsc.addupdate_scatter(hdst_v, [ei_v[1, pl.ds(j + u * 16, 16)]],
                                   ones)

    @pl.when(wid < NXTRA)
    def _():
        pltpu.sync_copy(
            ei_hbm.at[pl.ds(0, 2),
                      pl.ds((CPT * NW + wid) * CHUNK, CHUNK)], xi_v)

        @pl.loop(0, CHUNK, step=16)
        def _(j):
            plsc.addupdate_scatter(hsrc_v, [xi_v[0, pl.ds(j, 16)]], ones)
            plsc.addupdate_scatter(hdst_v, [xi_v[1, pl.ds(j, 16)]], ones)

    pltpu.sync_copy(hsrc_v, hist_hbm.at[wid, 0])
    pltpu.sync_copy(hdst_v, hist_hbm.at[wid, 1])


def _degrees(ei):
    mesh = plsc.VectorSubcoreMesh(core_axis_name="c", subcore_axis_name="s")
    return pl.kernel(
        _deg_body,
        out_type=jax.ShapeDtypeStruct((NW, 2, N), jnp.float32),
        mesh=mesh,
        scratch_types=[
            pltpu.VMEM((2, CPT * CHUNK), jnp.int32),
            pltpu.VMEM((2, CHUNK), jnp.int32),
            pltpu.VMEM((N,), jnp.float32),
            pltpu.VMEM((N,), jnp.float32),
        ],
        compiler_params=_sc_params(),
    )(ei)


def _enc_body(x_ref, w_ref, b_ref, h0_ref):
    h0 = jnp.dot(x_ref[...], w_ref[...], preferred_element_type=jnp.float32,
                 precision=_PREC)
    h0_ref[...] = jnp.maximum(h0 + b_ref[...][None, :], 0.0)


def _ench0(x, w_enc, b_enc):
    grid = ((N + BR - 1) // BR,)
    return pl.pallas_call(
        _enc_body,
        grid=grid,
        in_specs=[
            pl.BlockSpec((BR, D), lambda i: (i, 0)),
            pl.BlockSpec((D, D), lambda i: (0, 0)),
            pl.BlockSpec((D,), lambda i: (0,)),
        ],
        out_specs=pl.BlockSpec((BR, D), lambda i: (i, 0)),
        out_shape=jax.ShapeDtypeStruct((N, D), jnp.float32),
    )(x, w_enc, b_enc)


def _scale_body(h0_ref, hist_ref, hs_ref, nd_ref, nsnd_ref):
    degs = jnp.sum(hist_ref[...], axis=0) + 1.0
    ns = jax.lax.rsqrt(degs[0])
    nd = jax.lax.rsqrt(degs[1])
    hs_ref[...] = h0_ref[...] * ns[:, None]
    nd_ref[...] = nd
    nsnd_ref[...] = ns * nd


def _scale(h0, hist):
    grid = ((N + BR - 1) // BR,)
    return pl.pallas_call(
        _scale_body,
        grid=grid,
        in_specs=[
            pl.BlockSpec((BR, D), lambda i: (i, 0)),
            pl.BlockSpec((NW, 2, BR), lambda i: (0, 0, i)),
        ],
        out_specs=[
            pl.BlockSpec((BR, D), lambda i: (i, 0)),
            pl.BlockSpec((BR,), lambda i: (i,)),
            pl.BlockSpec((BR,), lambda i: (i,)),
        ],
        out_shape=[
            jax.ShapeDtypeStruct((N, D), jnp.float32),
            jax.ShapeDtypeStruct((N,), jnp.float32),
            jax.ShapeDtypeStruct((N,), jnp.float32),
        ],
    )(h0, hist)


def _msg_body(hs_hbm, ei_hbm, part_hbm, ei_v, xi_v, buf_v, agg_sh,
              gs0, gs1, ss0, ss1):
    gsems = (gs0, gs1)
    ssems = (ss0, ss1)
    cid = lax.axis_index("c")
    sid = lax.axis_index("s")
    wid = cid * NS + sid

    def _idx_load(half):
        c0 = wid * CPT + half * HCH
        return pltpu.make_async_copy(
            ei_hbm.at[pl.ds(0, 2), pl.ds(c0 * CHUNK, HCH * CHUNK)],
            ei_v, gs0)

    _idx_load(0).start()

    zeros = jnp.zeros((16,), jnp.float32)

    @pl.loop(0, CHUNK)
    def _(r):
        @pl.loop(0, D, step=16)
        def _(j):
            buf_v[0, r, pl.ds(j, 16)] = zeros

    r0 = sid * RPT
    for k in range(RPT // CHUNK):
        pltpu.sync_copy(buf_v.at[0], agg_sh.at[pl.ds(r0 + k * CHUNK, CHUNK)])
    rem = RPT - (RPT // CHUNK) * CHUNK
    if rem:
        pltpu.sync_copy(buf_v.at[0, pl.ds(0, rem)],
                        agg_sh.at[pl.ds(r0 + RPT - rem, rem)])

    @pl.when(sid == 0)
    def _():
        pltpu.sync_copy(buf_v.at[0, pl.ds(0, RREM)],
                        agg_sh.at[pl.ds(RPT * NS, RREM)])

    plsc.subcore_barrier()

    def _gather(idx, cc, b):
        return pltpu.make_async_copy(
            hs_hbm.at[idx.at[0, pl.ds(cc * CHUNK, CHUNK)]],
            buf_v.at[b], gsems[b])

    def _scatter(idx, cc, b):
        return pltpu.make_async_copy(
            buf_v.at[b],
            agg_sh.at[idx.at[1, pl.ds(cc * CHUNK, CHUNK)]], ssems[b])

    for half in range(NHALF):
        if half == 0:
            _idx_load(0).wait()
        else:
            pltpu.sync_copy(
                ei_hbm.at[pl.ds(0, 2),
                          pl.ds((wid * CPT + half * HCH) * CHUNK,
                                HCH * CHUNK)], ei_v)

        for b in range(NBUF):
            _gather(ei_v, b, b).start()

        @pl.loop(0, HCH - 3, step=NBUF)
        def _(c):
            for b in range(NBUF):
                cc = c + b
                _gather(ei_v, cc, b).wait()
                _scatter(ei_v, cc, b).start(add=True)
                _scatter(ei_v, cc, b).wait()
                _gather(ei_v, cc + NBUF, b).start()

        for cc in (HCH - 3, HCH - 2, HCH - 1):
            b = cc % NBUF
            _gather(ei_v, cc, b).wait()
            _scatter(ei_v, cc, b).start(add=True)
            _scatter(ei_v, cc, b).wait()
            if cc == HCH - 3:
                _gather(ei_v, cc + NBUF, b).start()

    @pl.when(wid < NXTRA)
    def _():
        pltpu.sync_copy(
            ei_hbm.at[pl.ds(0, 2), pl.ds((CPT * NW + wid) * CHUNK, CHUNK)],
            xi_v)
        pltpu.sync_copy(hs_hbm.at[xi_v.at[0]], buf_v.at[0])
        pltpu.sync_copy(buf_v.at[0], agg_sh.at[xi_v.at[1]], add=True)

    plsc.subcore_barrier()

    pltpu.sync_copy(agg_sh.at[pl.ds(r0, RPT)], part_hbm.at[cid, pl.ds(r0, RPT)])

    @pl.when(sid == 0)
    def _():
        pltpu.sync_copy(agg_sh.at[pl.ds(RPT * NS, RREM)],
                        part_hbm.at[cid, pl.ds(RPT * NS, RREM)])


def _messages(hs, ei):
    mesh = plsc.VectorSubcoreMesh(core_axis_name="c", subcore_axis_name="s")
    return pl.kernel(
        _msg_body,
        out_type=jax.ShapeDtypeStruct((NC, N, D), jnp.float32),
        mesh=mesh,
        scratch_types=[
            pltpu.VMEM((2, HCH * CHUNK), jnp.int32),
            pltpu.VMEM((2, CHUNK), jnp.int32),
            pltpu.VMEM((NBUF, CHUNK, D), jnp.float32),
            pltpu.VMEM_SHARED((N, D), jnp.float32),
            pltpu.SemaphoreType.DMA,
            pltpu.SemaphoreType.DMA,
            pltpu.SemaphoreType.DMA,
            pltpu.SemaphoreType.DMA,
        ],
        compiler_params=_sc_params(),
    )(hs, ei)


def _fin_body(part_ref, h0_ref, nd_ref, nsnd_ref, w_ref, b_ref, out_ref):
    p = part_ref[...]
    h0 = h0_ref[...]
    a1 = (p[0] + p[1]) * nd_ref[...][:, None] + h0 * nsnd_ref[...][:, None]
    h1 = jnp.dot(a1, w_ref[...], preferred_element_type=jnp.float32,
                 precision=_PREC)
    out_ref[...] = h0 + h1 + b_ref[...][None, :]


def _finalize(part, h0, nd, nsnd, w_gc, b_gc):
    grid = ((N + BR - 1) // BR,)
    return pl.pallas_call(
        _fin_body,
        grid=grid,
        in_specs=[
            pl.BlockSpec((NC, BR, D), lambda i: (0, i, 0)),
            pl.BlockSpec((BR, D), lambda i: (i, 0)),
            pl.BlockSpec((BR,), lambda i: (i,)),
            pl.BlockSpec((BR,), lambda i: (i,)),
            pl.BlockSpec((D, D), lambda i: (0, 0)),
            pl.BlockSpec((D,), lambda i: (0,)),
        ],
        out_specs=pl.BlockSpec((BR, D), lambda i: (i, 0)),
        out_shape=jax.ShapeDtypeStruct((N, D), jnp.float32),
    )(part, h0, nd, nsnd, w_gc, b_gc)


def kernel(node_features, edge_index, edgetypes, W_enc, b_enc, W_gc, b_gc):
    del edgetypes
    hist = _degrees(edge_index)
    h0 = _ench0(node_features, W_enc, b_enc)
    hs, nd, nsnd = _scale(h0, hist)
    part = _messages(hs, edge_index)
    return _finalize(part, h0, nd, nsnd, W_gc, b_gc)

# --- scband reference (transcript-rebuilt; emitter-appended) ---
"""Pipeline reference for scband-gcn-69441031242039 (READ-ONLY COPY).

The authoritative reference and input builder live on the scoring server;
editing this copy changes nothing except your own understanding.
"""

import jax
import jax.numpy as jnp
import numpy as np

N_NODES = 10000
N_EDGES = 320000
D_IN = 128
D_OUT = 128


def setup_inputs(seed: int = 0) -> dict:
    key = jax.random.key(seed)
    k1, k2, k3, k4, k5 = jax.random.split(key, 5)
    node_features = jax.random.normal(k1, (N_NODES, D_IN), dtype=jnp.float32)
    edge_index = jax.random.randint(k2, (2, N_EDGES), 0, N_NODES, dtype=jnp.int32)
    edgetypes = jax.random.randint(k3, (N_EDGES,), 0, 1, dtype=jnp.int32)
    # encoder mlp: in_dim -> out_dim, ReLU
    W_enc = jax.random.normal(k4, (D_IN, D_OUT), dtype=jnp.float32) * (1.0 / np.sqrt(D_IN))
    b_enc = jnp.zeros((D_OUT,), dtype=jnp.float32)
    # GraphConv weight: encoder_dim[-1] -> out_dim
    W_gc = jax.random.normal(k5, (D_OUT, D_OUT), dtype=jnp.float32) * (1.0 / np.sqrt(D_OUT))
    b_gc = jnp.zeros((D_OUT,), dtype=jnp.float32)
    return {"node_features": node_features, "edge_index": edge_index, "edgetypes": edgetypes,
            "W_enc": W_enc, "b_enc": b_enc, "W_gc": W_gc, "b_gc": b_gc}


def reference(node_features, edge_index, edgetypes, W_enc, b_enc, W_gc, b_gc):
    N = node_features.shape[0]
    # encoder MLP with last_relu=True
    h0 = jax.nn.relu(node_features @ W_enc + b_enc)
    # dgl.add_self_loop
    loop = jnp.arange(N, dtype=edge_index.dtype)
    src = jnp.concatenate([edge_index[0], loop])
    dst = jnp.concatenate([edge_index[1], loop])
    # GraphConv with norm='both': D_out^{-1/2} on source, D_in^{-1/2} on dest
    deg_out = jnp.bincount(src, length=N).astype(jnp.float32)
    deg_in = jnp.bincount(dst, length=N).astype(jnp.float32)
    norm_src = jax.lax.rsqrt(jnp.clip(deg_out, 1.0))
    norm_dst = jax.lax.rsqrt(jnp.clip(deg_in, 1.0))
    h = h0 * norm_src[:, None]
    # message passing: gather from src, scatter-add to dst
    msgs = jnp.take(h, src, axis=0)
    agg = jax.ops.segment_sum(msgs, dst, num_segments=N)
    agg = agg * norm_dst[:, None]
    h1 = agg @ W_gc + b_gc
    h1 = h1.reshape(-1, D_OUT)
    output = h0 + h1
    return output

if __name__ == "__main__":
    import jax
    _d = setup_inputs()
    print(jax.jit(kernel)(*tuple(_d.values())))

</pallas_src>

<mosaic_0001>
#map = affine_map<(d0, d1) -> (0, 0)>
#map1 = affine_map<(d0, d1) -> (0, 0, 0)>
module attributes {stable_mosaic.version = 14 : i64} {
  func.func @_deg_body(%arg0: i32, %arg1: i32, %arg2: memref<2x320000xi32, #tpu.memory_space<hbm>>, %arg3: memref<32x2x10000xf32, #tpu.memory_space<hbm>>, %arg4: memref<2x9984xi32, #tpu.memory_space<vmem>>, %arg5: memref<2x128xi32, #tpu.memory_space<vmem>>, %arg6: memref<10000xf32, #tpu.memory_space<vmem>>, %arg7: memref<10000xf32, #tpu.memory_space<vmem>>) attributes {dimension_semantics = [#tpu.dimension_semantics<core_parallel>, #tpu.dimension_semantics<subcore_parallel>], iteration_bounds = array<i64: 2, 16>, scalar_prefetch = 0 : i64, scratch_operands = 4 : i64, tpu.core_type = #tpu.core_type<sc_vector_subcore>, window_params = [{transform_indices = #map}, {transform_indices = #map1}]} {
    %mul3A = arith.constant 16 : i32
    %mul3A_0 = arith.muli %arg0, %mul3A : i32
    %add3A = arith.addi %mul3A_0, %arg1 : i32
    %mul3A_1 = arith.constant 9984 : i32
    %mul3A_2 = arith.muli %add3A, %mul3A_1 : i32
    "tpu.region"() ({
      %run_scoped3A_18 = tpu.sem_alloc : memref<!tpu.dma_semaphore, #tpu.memory_space<semaphore_mem>>
      %dma_start3A = arith.constant 0 : i32
      %dma_start3A_19 = tpu.memref_slice %arg2[%dma_start3A, %mul3A_2] : memref<2x320000xi32, #tpu.memory_space<hbm>> -> memref<2x9984xi32, #tpu.memory_space<hbm>>
      %dma_start3A_20 = arith.constant 0 : i32
      %dma_start3A_21 = tpu.memref_slice %arg2[%dma_start3A_20, %mul3A_2] : memref<2x320000xi32, #tpu.memory_space<hbm>> -> memref<2x9984xi32, #tpu.memory_space<hbm>>
      tpu.enqueue_dma source(%dma_start3A_21 : memref<2x9984xi32, #tpu.memory_space<hbm>>) target(%arg4 : memref<2x9984xi32, #tpu.memory_space<vmem>>) target_semaphore(%run_scoped3A_18 : memref<!tpu.dma_semaphore, #tpu.memory_space<semaphore_mem>>)
      %dma_wait3A = arith.constant 0 : i32
      %dma_wait3A_22 = tpu.memref_slice %arg2[%dma_wait3A, %mul3A_2] : memref<2x320000xi32, #tpu.memory_space<hbm>> -> memref<2x9984xi32, #tpu.memory_space<hbm>>
      %dma_wait3A_23 = arith.constant 0 : i32
      %dma_wait3A_24 = tpu.memref_slice %arg2[%dma_wait3A_23, %mul3A_2] : memref<2x320000xi32, #tpu.memory_space<hbm>> -> memref<2x9984xi32, #tpu.memory_space<hbm>>
      tpu.wait_dma2 semaphore(%run_scoped3A_18 : memref<!tpu.dma_semaphore, #tpu.memory_space<semaphore_mem>>) src(%dma_wait3A_24 : memref<2x9984xi32, #tpu.memory_space<hbm>>) dst(%arg4 : memref<2x9984xi32, #tpu.memory_space<vmem>>)
      tpu.yield
    }) : () -> ()
    %broadcast_in_dim3A = arith.constant 0.000000e+00 : f32
    %broadcast_in_dim3A_3 = vector.broadcast %broadcast_in_dim3A : f32 to vector<16xf32>
    %scan3A = arith.constant 0 : i32
    %scan3A_4 = arith.constant 625 : i32
    %scan3A_5 = arith.addi %scan3A, %scan3A_4 : i32
    %scan3A_6 = arith.constant 1 : i32
    scf.for %scan3A_18 = %scan3A to %scan3A_5 step %scan3A_6  : i32 {
      %mul3A_19 = arith.constant 16 : i32
      %mul3A_20 = arith.muli %scan3A_18, %mul3A_19 : i32
      %add3A_21 = arith.constant 0 : i32
      %add3A_22 = arith.addi %add3A_21, %mul3A_20 : i32
      %swap3A = arith.index_cast %add3A_22 : i32 to index
      %swap3A_23 = tpu.vector_load %arg6[%swap3A] {strides = array<i32>} : memref<10000xf32, #tpu.memory_space<vmem>>, vector<16xf32>,
      tpu.vector_store %arg6[%swap3A], %broadcast_in_dim3A_3 {strides = array<i32>} : memref<10000xf32, #tpu.memory_space<vmem>>, vector<16xf32>,
      %swap3A_24 = arith.index_cast %add3A_22 : i32 to index
      %swap3A_25 = tpu.vector_load %arg7[%swap3A_24] {strides = array<i32>} : memref<10000xf32, #tpu.memory_space<vmem>>, vector<16xf32>,
      tpu.vector_store %arg7[%swap3A_24], %broadcast_in_dim3A_3 {strides = array<i32>} : memref<10000xf32, #tpu.memory_space<vmem>>, vector<16xf32>,
    }
    %scan3A_7 = arith.constant 625 : i32
    %broadcast_in_dim3A_8 = arith.constant 1.000000e+00 : f32
    %broadcast_in_dim3A_9 = vector.broadcast %broadcast_in_dim3A_8 : f32 to vector<16xf32>
    %scan3A_10 = arith.constant 0 : i32
    %scan3A_11 = arith.constant 156 : i32
    %scan3A_12 = arith.addi %scan3A_10, %scan3A_11 : i32
    %scan3A_13 = arith.constant 1 : i32
    scf.for %scan3A_18 = %scan3A_10 to %scan3A_12 step %scan3A_13  : i32 {
      %mul3A_19 = arith.constant 64 : i32
      %mul3A_20 = arith.muli %scan3A_18, %mul3A_19 : i32
      %add3A_21 = arith.constant 0 : i32
      %add3A_22 = arith.addi %add3A_21, %mul3A_20 : i32
      %add3A_23 = arith.constant 0 : i32
      %add3A_24 = arith.addi %add3A_22, %add3A_23 : i32
      %get3A = arith.constant 0 : i32
      %get3A_25 = arith.index_cast %get3A : i32 to index
      %get3A_26 = arith.index_cast %add3A_24 : i32 to index
      %get3A_27 = tpu.vector_load %arg4[%get3A_25, %get3A_26] {strides = array<i32>} : memref<2x9984xi32, #tpu.memory_space<vmem>>, vector<16xi32>,
      tpu.vector_store_idx %arg6[%get3A_27], %broadcast_in_dim3A_9 {add = true} : memref<10000xf32, #tpu.memory_space<vmem>>[vector<16xi32>], vector<16xf32>,
      %add3A_28 = arith.constant 0 : i32
      %add3A_29 = arith.addi %add3A_22, %add3A_28 : i32
      %get3A_30 = arith.constant 1 : i32
      %get3A_31 = arith.index_cast %get3A_30 : i32 to index
      %get3A_32 = arith.index_cast %add3A_29 : i32 to index
      %get3A_33 = tpu.vector_load %arg4[%get3A_31, %get3A_32] {strides = array<i32>} : memref<2x9984xi32, #tpu.memory_space<vmem>>, vector<16xi32>,
      tpu.vector_store_idx %arg7[%get3A_33], %broadcast_in_dim3A_9 {add = true} : memref<10000xf32, #tpu.memory_space<vmem>>[vector<16xi32>], vector<16xf32>,
      %add3A_34 = arith.constant 16 : i32
      %add3A_35 = arith.addi %add3A_22, %add3A_34 : i32
      %get3A_36 = arith.constant 0 : i32
      %get3A_37 = arith.index_cast %get3A_36 : i32 to index
      %get3A_38 = arith.index_cast %add3A_35 : i32 to index
      %get3A_39 = tpu.vector_load %arg4[%get3A_37, %get3A_38] {strides = array<i32>} : memref<2x9984xi32, #tpu.memory_space<vmem>>, vector<16xi32>,
      tpu.vector_store_idx %arg6[%get3A_39], %broadcast_in_dim3A_9 {add = true} : memref<10000xf32, #tpu.memory_space<vmem>>[vector<16xi32>], vector<16xf32>,
      %add3A_40 = arith.constant 16 : i32
      %add3A_41 = arith.addi %add3A_22, %add3A_40 : i32
      %get3A_42 = arith.constant 1 : i32
      %get3A_43 = arith.index_cast %get3A_42 : i32 to index
      %get3A_44 = arith.index_cast %add3A_41 : i32 to index
      %get3A_45 = tpu.vector_load %arg4[%get3A_43, %get3A_44] {strides = array<i32>} : memref<2x9984xi32, #tpu.memory_space<vmem>>, vector<16xi32>,
      tpu.vector_store_idx %arg7[%get3A_45], %broadcast_in_dim3A_9 {add = true} : memref<10000xf32, #tpu.memory_space<vmem>>[vector<16xi32>], vector<16xf32>,
      %add3A_46 = arith.constant 32 : i32
      %add3A_47 = arith.addi %add3A_22, %add3A_46 : i32
      %get3A_48 = arith.constant 0 : i32
      %get3A_49 = arith.index_cast %get3A_48 : i32 to index
      %get3A_50 = arith.index_cast %add3A_47 : i32 to index
      %get3A_51 = tpu.vector_load %arg4[%get3A_49, %get3A_50] {strides = array<i32>} : memref<2x9984xi32, #tpu.memory_space<vmem>>, vector<16xi32>,
      tpu.vector_store_idx %arg6[%get3A_51], %broadcast_in_dim3A_9 {add = true} : memref<10000xf32, #tpu.memory_space<vmem>>[vector<16xi32>], vector<16xf32>,
      %add3A_52 = arith.constant 32 : i32
      %add3A_53 = arith.addi %add3A_22, %add3A_52 : i32
      %get3A_54 = arith.constant 1 : i32
      %get3A_55 = arith.index_cast %get3A_54 : i32 to index
      %get3A_56 = arith.index_cast %add3A_53 : i32 to index
      %get3A_57 = tpu.vector_load %arg4[%get3A_55, %get3A_56] {strides = array<i32>} : memref<2x9984xi32, #tpu.memory_space<vmem>>, vector<16xi32>,
      tpu.vector_store_idx %arg7[%get3A_57], %broadcast_in_dim3A_9 {add = true} : memref<10000xf32, #tpu.memory_space<vmem>>[vector<16xi32>], vector<16xf32>,
      %add3A_58 = arith.constant 48 : i32
      %add3A_59 = arith.addi %add3A_22, %add3A_58 : i32
      %get3A_60 = arith.constant 0 : i32
      %get3A_61 = arith.index_cast %get3A_60 : i32 to index
      %get3A_62 = arith.index_cast %add3A_59 : i32 to index
      %get3A_63 = tpu.vector_load %arg4[%get3A_61, %get3A_62] {strides = array<i32>} : memref<2x9984xi32, #tpu.memory_space<vmem>>, vector<16xi32>,
      tpu.vector_store_idx %arg6[%get3A_63], %broadcast_in_dim3A_9 {add = true} : memref<10000xf32, #tpu.memory_space<vmem>>[vector<16xi32>], vector<16xf32>,
      %add3A_64 = arith.constant 48 : i32
      %add3A_65 = arith.addi %add3A_22, %add3A_64 : i32
      %get3A_66 = arith.constant 1 : i32
      %get3A_67 = arith.index_cast %get3A_66 : i32 to index
      %get3A_68 = arith.index_cast %add3A_65 : i32 to index
      %get3A_69 = tpu.vector_load %arg4[%get3A_67, %get3A_68] {strides = array<i32>} : memref<2x9984xi32, #tpu.memory_space<vmem>>, vector<16xi32>,
      tpu.vector_store_idx %arg7[%get3A_69], %broadcast_in_dim3A_9 {add = true} : memref<10000xf32, #tpu.memory_space<vmem>>[vector<16xi32>], vector<16xf32>,
    }
    %scan3A_14 = arith.constant 156 : i32
    %lt3A = arith.constant 4 : i32
    %lt3A_15 = arith.cmpi slt, %add3A, %lt3A : i32
    %convert_element_type3A = arith.extui %lt3A_15 : i1 to i32
    %cond3A = arith.constant 0 : i32
    %cond3A_16 = arith.cmpi ne, %convert_element_type3A, %cond3A : i32
    scf.if %cond3A_16 {
      %add3A_18 = arith.constant 2496 : i32
      %add3A_19 = arith.addi %add3A_18, %add3A : i32
      %mul3A_20 = arith.constant 128 : i32
      %mul3A_21 = arith.muli %add3A_19, %mul3A_20 : i32
      "tpu.region"() ({
        %run_scoped3A_27 = tpu.sem_alloc : memref<!tpu.dma_semaphore, #tpu.memory_space<semaphore_mem>>
        %dma_start3A = arith.constant 0 : i32
        %dma_start3A_28 = tpu.memref_slice %arg2[%dma_start3A, %mul3A_21] : memref<2x320000xi32, #tpu.memory_space<hbm>> -> memref<2x128xi32, #tpu.memory_space<hbm>>
        %dma_start3A_29 = arith.constant 0 : i32
        %dma_start3A_30 = tpu.memref_slice %arg2[%dma_start3A_29, %mul3A_21] : memref<2x320000xi32, #tpu.memory_space<hbm>> -> memref<2x128xi32, #tpu.memory_space<hbm>>
        tpu.enqueue_dma source(%dma_start3A_30 : memref<2x128xi32, #tpu.memory_space<hbm>>) target(%arg5 : memref<2x128xi32, #tpu.memory_space<vmem>>) target_semaphore(%run_scoped3A_27 : memref<!tpu.dma_semaphore, #tpu.memory_space<semaphore_mem>>)
        %dma_wait3A = arith.constant 0 : i32
        %dma_wait3A_31 = tpu.memref_slice %arg2[%dma_wait3A, %mul3A_21] : memref<2x320000xi32, #tpu.memory_space<hbm>> -> memref<2x128xi32, #tpu.memory_space<hbm>>
        %dma_wait3A_32 = arith.constant 0 : i32
        %dma_wait3A_33 = tpu.memref_slice %arg2[%dma_wait3A_32, %mul3A_21] : memref<2x320000xi32, #tpu.memory_space<hbm>> -> memref<2x128xi32, #tpu.memory_space<hbm>>
        tpu.wait_dma2 semaphore(%run_scoped3A_27 : memref<!tpu.dma_semaphore, #tpu.memory_space<semaphore_mem>>) src(%dma_wait3A_33 : memref<2x128xi32, #tpu.memory_space<hbm>>) dst(%arg5 : memref<2x128xi32, #tpu.memory_space<vmem>>)
        tpu.yield
      }) : () -> ()
      %scan3A_22 = arith.constant 0 : i32
      %scan3A_23 = arith.constant 8 : i32
      %scan3A_24 = arith.addi %scan3A_22, %scan3A_23 : i32
      %scan3A_25 = arith.constant 1 : i32
      scf.for %scan3A_27 = %scan3A_22 to %scan3A_24 step %scan3A_25  : i32 {
        %mul3A_28 = arith.constant 16 : i32
        %mul3A_29 = arith.muli %scan3A_27, %mul3A_28 : i32
        %add3A_30 = arith.constant 0 : i32
        %add3A_31 = arith.addi %add3A_30, %mul3A_29 : i32
        %get3A = arith.constant 0 : i32
        %get3A_32 = arith.index_cast %get3A : i32 to index
        %get3A_33 = arith.index_cast %add3A_31 : i32 to index
        %get3A_34 = tpu.vector_load %arg5[%get3A_32, %get3A_33] {strides = array<i32>} : memref<2x128xi32, #tpu.memory_space<vmem>>, vector<16xi32>,
        tpu.vector_store_idx %arg6[%get3A_34], %broadcast_in_dim3A_9 {add = true} : memref<10000xf32, #tpu.memory_space<vmem>>[vector<16xi32>], vector<16xf32>,
        %get3A_35 = arith.constant 1 : i32
        %get3A_36 = arith.index_cast %get3A_35 : i32 to index
        %get3A_37 = arith.index_cast %add3A_31 : i32 to index
        %get3A_38 = tpu.vector_load %arg5[%get3A_36, %get3A_37] {strides = array<i32>} : memref<2x128xi32, #tpu.memory_space<vmem>>, vector<16xi32>,
        tpu.vector_store_idx %arg7[%get3A_38], %broadcast_in_dim3A_9 {add = true} : memref<10000xf32, #tpu.memory_space<vmem>>[vector<16xi32>], vector<16xf32>,
      }
      %scan3A_26 = arith.constant 8 : i32
    } else {
    }
    %run_scoped3A = arith.constant 0 : i32
    "tpu.region"() ({
      %run_scoped3A_18 = tpu.sem_alloc : memref<!tpu.dma_semaphore, #tpu.memory_space<semaphore_mem>>
      %dma_start3A = arith.constant 0 : i32
      %dma_start3A_19 = tpu.memref_slice %arg3[%add3A, %run_scoped3A, %dma_start3A] : memref<32x2x10000xf32, #tpu.memory_space<hbm>> -> memref<1x1x10000xf32, #tpu.memory_space<hbm>>
      %dma_start3A_20 = tpu.memref_squeeze %dma_start3A_19 : memref<1x1x10000xf32, #tpu.memory_space<hbm>> -> memref<10000xf32, #tpu.memory_space<hbm>>
      %dma_start3A_21 = arith.constant 0 : i32
      %dma_start3A_22 = tpu.memref_slice %arg3[%add3A, %run_scoped3A, %dma_start3A_21] : memref<32x2x10000xf32, #tpu.memory_space<hbm>> -> memref<1x1x10000xf32, #tpu.memory_space<hbm>>
      %dma_start3A_23 = tpu.memref_squeeze %dma_start3A_22 : memref<1x1x10000xf32, #tpu.memory_space<hbm>> -> memref<10000xf32, #tpu.memory_space<hbm>>
      tpu.enqueue_dma source(%arg6 : memref<10000xf32, #tpu.memory_space<vmem>>) target(%dma_start3A_23 : memref<10000xf32, #tpu.memory_space<hbm>>) target_semaphore(%run_scoped3A_18 : memref<!tpu.dma_semaphore, #tpu.memory_space<semaphore_mem>>)
      %dma_wait3A = arith.constant 0 : i32
      %dma_wait3A_24 = tpu.memref_slice %arg3[%add3A, %run_scoped3A, %dma_wait3A] : memref<32x2x10000xf32, #tpu.memory_space<hbm>> -> memref<1x1x10000xf32, #tpu.memory_space<hbm>>
      %dma_wait3A_25 = tpu.memref_squeeze %dma_wait3A_24 : memref<1x1x10000xf32, #tpu.memory_space<hbm>> -> memref<10000xf32, #tpu.memory_space<hbm>>
      %dma_wait3A_26 = arith.constant 0 : i32
      %dma_wait3A_27 = tpu.memref_slice %arg3[%add3A, %run_scoped3A, %dma_wait3A_26] : memref<32x2x10000xf32, #tpu.memory_space<hbm>> -> memref<1x1x10000xf32, #tpu.memory_space<hbm>>
      %dma_wait3A_28 = tpu.memref_squeeze %dma_wait3A_27 : memref<1x1x10000xf32, #tpu.memory_space<hbm>> -> memref<10000xf32, #tpu.memory_space<hbm>>
      tpu.wait_dma2 semaphore(%run_scoped3A_18 : memref<!tpu.dma_semaphore, #tpu.memory_space<semaphore_mem>>) src(%arg6 : memref<10000xf32, #tpu.memory_space<vmem>>) dst(%dma_wait3A_28 : memref<10000xf32, #tpu.memory_space<hbm>>)
      tpu.yield
    }) : () -> ()
    %run_scoped3A_17 = arith.constant 1 : i32
    "tpu.region"() ({
      %run_scoped3A_18 = tpu.sem_alloc : memref<!tpu.dma_semaphore, #tpu.memory_space<semaphore_mem>>
      %dma_start3A = arith.constant 0 : i32
      %dma_start3A_19 = tpu.memref_slice %arg3[%add3A, %run_scoped3A_17, %dma_start3A] : memref<32x2x10000xf32, #tpu.memory_space<hbm>> -> memref<1x1x10000xf32, #tpu.memory_space<hbm>>
      %dma_start3A_20 = tpu.memref_squeeze %dma_start3A_19 : memref<1x1x10000xf32, #tpu.memory_space<hbm>> -> memref<10000xf32, #tpu.memory_space<hbm>>
      %dma_start3A_21 = arith.constant 0 : i32
      %dma_start3A_22 = tpu.memref_slice %arg3[%add3A, %run_scoped3A_17, %dma_start3A_21] : memref<32x2x10000xf32, #tpu.memory_space<hbm>> -> memref<1x1x10000xf32, #tpu.memory_space<hbm>>
      %dma_start3A_23 = tpu.memref_squeeze %dma_start3A_22 : memref<1x1x10000xf32, #tpu.memory_space<hbm>> -> memref<10000xf32, #tpu.memory_space<hbm>>
      tpu.enqueue_dma source(%arg7 : memref<10000xf32, #tpu.memory_space<vmem>>) target(%dma_start3A_23 : memref<10000xf32, #tpu.memory_space<hbm>>) target_semaphore(%run_scoped3A_18 : memref<!tpu.dma_semaphore, #tpu.memory_space<semaphore_mem>>)
      %dma_wait3A = arith.constant 0 : i32
      %dma_wait3A_24 = tpu.memref_slice %arg3[%add3A, %run_scoped3A_17, %dma_wait3A] : memref<32x2x10000xf32, #tpu.memory_space<hbm>> -> memref<1x1x10000xf32, #tpu.memory_space<hbm>>
      %dma_wait3A_25 = tpu.memref_squeeze %dma_wait3A_24 : memref<1x1x10000xf32, #tpu.memory_space<hbm>> -> memref<10000xf32, #tpu.memory_space<hbm>>
      %dma_wait3A_26 = arith.constant 0 : i32
      %dma_wait3A_27 = tpu.memref_slice %arg3[%add3A, %run_scoped3A_17, %dma_wait3A_26] : memref<32x2x10000xf32, #tpu.memory_space<hbm>> -> memref<1x1x10000xf32, #tpu.memory_space<hbm>>
      %dma_wait3A_28 = tpu.memref_squeeze %dma_wait3A_27 : memref<1x1x10000xf32, #tpu.memory_space<hbm>> -> memref<10000xf32, #tpu.memory_space<hbm>>
      tpu.wait_dma2 semaphore(%run_scoped3A_18 : memref<!tpu.dma_semaphore, #tpu.memory_space<semaphore_mem>>) src(%arg7 : memref<10000xf32, #tpu.memory_space<vmem>>) dst(%dma_wait3A_28 : memref<10000xf32, #tpu.memory_space<hbm>>)
      tpu.yield
    }) : () -> ()
    return
  }
}

#map = affine_map<(d0, d1) -> (0, 0)>
#map1 = affine_map<(d0, d1) -> (0, 0, 0)>
module attributes {stable_mosaic.version = 14 : i64} {
  func.func @_msg_body(%arg0: i32, %arg1: i32, %arg2: memref<10000x128xf32, #tpu.memory_space<hbm>>, %arg3: memref<2x320000xi32, #tpu.memory_space<hbm>>, %arg4: memref<2x10000x128xf32, #tpu.memory_space<hbm>>, %arg5: memref<2x4992xi32, #tpu.memory_space<vmem>>, %arg6: memref<2x128xi32, #tpu.memory_space<vmem>>, %arg7: memref<2x128x128xf32, #tpu.memory_space<vmem>>, %arg8: memref<10000x128xf32, #tpu.memory_space<vmem_shared>>, %arg9: memref<!tpu.dma_semaphore, #tpu.memory_space<semaphore_mem>>, %arg10: memref<!tpu.dma_semaphore, #tpu.memory_space<semaphore_mem>>, %arg11: memref<!tpu.dma_semaphore, #tpu.memory_space<semaphore_mem>>, %arg12: memref<!tpu.dma_semaphore, #tpu.memory_space<semaphore_mem>>) attributes {dimension_semantics = [#tpu.dimension_semantics<core_parallel>, #tpu.dimension_semantics<subcore_parallel>], iteration_bounds = array<i64: 2, 16>, scalar_prefetch = 0 : i64, scratch_operands = 8 : i64, tpu.core_type = #tpu.core_type<sc_vector_subcore>, window_params = [{transform_indices = #map}, {transform_indices = #map}, {transform_indices = #map1}]} {
    %mul3A = arith.constant 16 : i32
    %mul3A_0 = arith.muli %arg0, %mul3A : i32
    %add3A = arith.addi %mul3A_0, %arg1 : i32
    %mul3A_1 = arith.constant 78 : i32
    %mul3A_2 = arith.muli %add3A, %mul3A_1 : i32
    %add3A_3 = arith.constant 0 : i32
    %add3A_4 = arith.addi %mul3A_2, %add3A_3 : i32
    %mul3A_5 = arith.constant 128 : i32
    %mul3A_6 = arith.muli %add3A_4, %mul3A_5 : i32
    %dma_start3A = arith.constant 0 : i32
    %dma_start3A_7 = tpu.memref_slice %arg3[%dma_start3A, %mul3A_6] : memref<2x320000xi32, #tpu.memory_space<hbm>> -> memref<2x4992xi32, #tpu.memory_space<hbm>>
    %dma_start3A_8 = arith.constant 0 : i32
    %dma_start3A_9 = tpu.memref_slice %arg3[%dma_start3A_8, %mul3A_6] : memref<2x320000xi32, #tpu.memory_space<hbm>> -> memref<2x4992xi32, #tpu.memory_space<hbm>>
    tpu.enqueue_dma source(%dma_start3A_9 : memref<2x4992xi32, #tpu.memory_space<hbm>>) target(%arg5 : memref<2x4992xi32, #tpu.memory_space<vmem>>) target_semaphore(%arg9 : memref<!tpu.dma_semaphore, #tpu.memory_space<semaphore_mem>>)
    %broadcast_in_dim3A = arith.constant 0.000000e+00 : f32
    %broadcast_in_dim3A_10 = vector.broadcast %broadcast_in_dim3A : f32 to vector<16xf32>
    %scan3A = arith.constant 0 : i32
    %scan3A_11 = arith.constant 128 : i32
    %scan3A_12 = arith.addi %scan3A, %scan3A_11 : i32
    %scan3A_13 = arith.constant 1 : i32
    scf.for %scan3A_357 = %scan3A to %scan3A_12 step %scan3A_13  : i32 {
      %mul3A_358 = arith.constant 1 : i32
      %mul3A_359 = arith.muli %scan3A_357, %mul3A_358 : i32
      %add3A_360 = arith.constant 0 : i32
      %add3A_361 = arith.addi %add3A_360, %mul3A_359 : i32
      %scan3A_362 = arith.constant 0 : i32
      %scan3A_363 = arith.constant 8 : i32
      %scan3A_364 = arith.addi %scan3A_362, %scan3A_363 : i32
      %scan3A_365 = arith.constant 1 : i32
      scf.for %scan3A_367 = %scan3A_362 to %scan3A_364 step %scan3A_365  : i32 {
        %mul3A_368 = arith.constant 16 : i32
        %mul3A_369 = arith.muli %scan3A_367, %mul3A_368 : i32
        %add3A_370 = arith.constant 0 : i32
        %add3A_371 = arith.addi %add3A_370, %mul3A_369 : i32
        %swap3A = arith.constant 0 : i32
        %swap3A_372 = arith.index_cast %swap3A : i32 to index
        %swap3A_373 = arith.index_cast %add3A_361 : i32 to index
        %swap3A_374 = arith.index_cast %add3A_371 : i32 to index
        %swap3A_375 = tpu.vector_load %arg7[%swap3A_372, %swap3A_373, %swap3A_374] {strides = array<i32>} : memref<2x128x128xf32, #tpu.memory_space<vmem>>, vector<16xf32>,
        tpu.vector_store %arg7[%swap3A_372, %swap3A_373, %swap3A_374], %broadcast_in_dim3A_10 {strides = array<i32>} : memref<2x128x128xf32, #tpu.memory_space<vmem>>, vector<16xf32>,
      }
      %scan3A_366 = arith.constant 8 : i32
    }
    %scan3A_14 = arith.constant 128 : i32
    %mul3A_15 = arith.constant 624 : i32
    %mul3A_16 = arith.muli %arg1, %mul3A_15 : i32
    %add3A_17 = arith.constant 0 : i32
    %add3A_18 = arith.addi %mul3A_16, %add3A_17 : i32
    %run_scoped3A = arith.constant 0 : i32
    "tpu.region"() ({
      %run_scoped3A_357 = tpu.sem_alloc : memref<!tpu.dma_semaphore, #tpu.memory_space<semaphore_mem>>
      %dma_start3A_358 = arith.constant 0 : i32
      %dma_start3A_359 = arith.constant 0 : i32
      %dma_start3A_360 = tpu.memref_slice %arg7[%run_scoped3A, %dma_start3A_358, %dma_start3A_359] : memref<2x128x128xf32, #tpu.memory_space<vmem>> -> memref<1x128x128xf32, #tpu.memory_space<vmem>>
      %dma_start3A_361 = tpu.memref_squeeze %dma_start3A_360 : memref<1x128x128xf32, #tpu.memory_space<vmem>> -> memref<128x128xf32, #tpu.memory_space<vmem>>
      %dma_start3A_362 = arith.constant 0 : i32
      %dma_start3A_363 = tpu.memref_slice %arg8[%add3A_18, %dma_start3A_362] : memref<10000x128xf32, #tpu.memory_space<vmem_shared>> -> memref<128x128xf32, #tpu.memory_space<vmem_shared>>
      %dma_start3A_364 = arith.constant 0 : i32
      %dma_start3A_365 = tpu.memref_slice %arg8[%add3A_18, %dma_start3A_364] : memref<10000x128xf32, #tpu.memory_space<vmem_shared>> -> memref<128x128xf32, #tpu.memory_space<vmem_shared>>
      %dma_start3A_366 = arith.constant 0 : i32
      %dma_start3A_367 = arith.constant 0 : i32
      %dma_start3A_368 = tpu.memref_slice %arg7[%run_scoped3A, %dma_start3A_366, %dma_start3A_367] : memref<2x128x128xf32, #tpu.memory_space<vmem>> -> memref<1x128x128xf32, #tpu.memory_space<vmem>>
      %dma_start3A_369 = tpu.memref_squeeze %dma_start3A_368 : memref<1x128x128xf32, #tpu.memory_space<vmem>> -> memref<128x128xf32, #tpu.memory_space<vmem>>
      tpu.enqueue_dma source(%dma_start3A_369 : memref<128x128xf32, #tpu.memory_space<vmem>>) target(%dma_start3A_365 : memref<128x128xf32, #tpu.memory_space<vmem_shared>>) target_semaphore(%run_scoped3A_357 : memref<!tpu.dma_semaphore, #tpu.memory_space<semaphore_mem>>)
      %dma_wait3A_370 = arith.constant 0 : i32
      %dma_wait3A_371 = arith.constant 0 : i32
      %dma_wait3A_372 = tpu.memref_slice %arg7[%run_scoped3A, %dma_wait3A_370, %dma_wait3A_371] : memref<2x128x128xf32, #tpu.memory_space<vmem>> -> memref<1x128x128xf32, #tpu.memory_space<vmem>>
      %dma_wait3A_373 = tpu.memref_squeeze %dma_wait3A_372 : memref<1x128x128xf32, #tpu.memory_space<vmem>> -> memref<128x128xf32, #tpu.memory_space<vmem>>
      %dma_wait3A_374 = arith.constant 0 : i32
      %dma_wait3A_375 = tpu.memref_slice %arg8[%add3A_18, %dma_wait3A_374] : memref<10000x128xf32, #tpu.memory_space<vmem_shared>> -> memref<128x128xf32, #tpu.memory_space<vmem_shared>>
      %dma_wait3A_376 = arith.constant 0 : i32
      %dma_wait3A_377 = tpu.memref_slice %arg8[%add3A_18, %dma_wait3A_376] : memref<10000x128xf32, #tpu.memory_space<vmem_shared>> -> memref<128x128xf32, #tpu.memory_space<vmem_shared>>
      %dma_wait3A_378 = arith.constant 0 : i32
      %dma_wait3A_379 = arith.constant 0 : i32
      %dma_wait3A_380 = tpu.memref_slice %arg7[%run_scoped3A, %dma_wait3A_378, %dma_wait3A_379] : memref<2x128x128xf32, #tpu.memory_space<vmem>> -> memref<1x128x128xf32, #tpu.memory_space<vmem>>
      %dma_wait3A_381 = tpu.memref_squeeze %dma_wait3A_380 : memref<1x128x128xf32, #tpu.memory_space<vmem>> -> memref<128x128xf32, #tpu.memory_space<vmem>>
      tpu.wait_dma2 semaphore(%run_scoped3A_357 : memref<!tpu.dma_semaphore, #tpu.memory_space<semaphore_mem>>) src(%dma_wait3A_381 : memref<128x128xf32, #tpu.memory_space<vmem>>) dst(%dma_wait3A_377 : memref<128x128xf32, #tpu.memory_space<vmem_shared>>)
      tpu.yield
    }) : () -> ()
    %add3A_19 = arith.constant 128 : i32
    %add3A_20 = arith.addi %mul3A_16, %add3A_19 : i32
    %run_scoped3A_21 = arith.constant 0 : i32
    "tpu.region"() ({
      %run_scoped3A_357 = tpu.sem_alloc : memref<!tpu.dma_semaphore, #tpu.memory_space<semaphore_mem>>
      %dma_start3A_358 = arith.constant 0 : i32
      %dma_start3A_359 = arith.constant 0 : i32
      %dma_start3A_360 = tpu.memref_slice %arg7[%run_scoped3A_21, %dma_start3A_358, %dma_start3A_359] : memref<2x128x128xf32, #tpu.memory_space<vmem>> -> memref<1x128x128xf32, #tpu.memory_space<vmem>>
      %dma_start3A_361 = tpu.memref_squeeze %dma_start3A_360 : memref<1x128x128xf32, #tpu.memory_space<vmem>> -> memref<128x128xf32, #tpu.memory_space<vmem>>
      %dma_start3A_362 = arith.constant 0 : i32
      %dma_start3A_363 = tpu.memref_slice %arg8[%add3A_20, %dma_start3A_362] : memref<10000x128xf32, #tpu.memory_space<vmem_shared>> -> memref<128x128xf32, #tpu.memory_space<vmem_shared>>
      %dma_start3A_364 = arith.constant 0 : i32
      %dma_start3A_365 = tpu.memref_slice %arg8[%add3A_20, %dma_start3A_364] : memref<10000x128xf32, #tpu.memory_space<vmem_shared>> -> memref<128x128xf32, #tpu.memory_space<vmem_shared>>
      %dma_start3A_366 = arith.constant 0 : i32
      %dma_start3A_367 = arith.constant 0 : i32
      %dma_start3A_368 = tpu.memref_slice %arg7[%run_scoped3A_21, %dma_start3A_366, %dma_start3A_367] : memref<2x128x128xf32, #tpu.memory_space<vmem>> -> memref<1x128x128xf32, #tpu.memory_space<vmem>>
      %dma_start3A_369 = tpu.memref_squeeze %dma_start3A_368 : memref<1x128x128xf32, #tpu.memory_space<vmem>> -> memref<128x128xf32, #tpu.memory_space<vmem>>
      tpu.enqueue_dma source(%dma_start3A_369 : memref<128x128xf32, #tpu.memory_space<vmem>>) target(%dma_start3A_365 : memref<128x128xf32, #tpu.memory_space<vmem_shared>>) target_semaphore(%run_scoped3A_357 : memref<!tpu.dma_semaphore, #tpu.memory_space<semaphore_mem>>)
      %dma_wait3A_370 = arith.constant 0 : i32
      %dma_wait3A_371 = arith.constant 0 : i32
      %dma_wait3A_372 = tpu.memref_slice %arg7[%run_scoped3A_21, %dma_wait3A_370, %dma_wait3A_371] : memref<2x128x128xf32, #tpu.memory_space<vmem>> -> memref<1x128x128xf32, #tpu.memory_space<vmem>>
      %dma_wait3A_373 = tpu.memref_squeeze %dma_wait3A_372 : memref<1x128x128xf32, #tpu.memory_space<vmem>> -> memref<128x128xf32, #tpu.memory_space<vmem>>
      %dma_wait3A_374 = arith.constant 0 : i32
      %dma_wait3A_375 = tpu.memref_slice %arg8[%add3A_20, %dma_wait3A_374] : memref<10000x128xf32, #tpu.memory_space<vmem_shared>> -> memref<128x128xf32, #tpu.memory_space<vmem_shared>>
      %dma_wait3A_376 = arith.constant 0 : i32
      %dma_wait3A_377 = tpu.memref_slice %arg8[%add3A_20, %dma_wait3A_376] : memref<10000x128xf32, #tpu.memory_space<vmem_shared>> -> memref<128x128xf32, #tpu.memory_space<vmem_shared>>
      %dma_wait3A_378 = arith.constant 0 : i32
      %dma_wait3A_379 = arith.constant 0 : i32
      %dma_wait3A_380 = tpu.memref_slice %arg7[%run_scoped3A_21, %dma_wait3A_378, %dma_wait3A_379] : memref<2x128x128xf32, #tpu.memory_space<vmem>> -> memref<1x128x128xf32, #tpu.memory_space<vmem>>
      %dma_wait3A_381 = tpu.memref_squeeze %dma_wait3A_380 : memref<1x128x128xf32, #tpu.memory_space<vmem>> -> memref<128x128xf32, #tpu.memory_space<vmem>>
      tpu.wait_dma2 semaphore(%run_scoped3A_357 : memref<!tpu.dma_semaphore, #tpu.memory_space<semaphore_mem>>) src(%dma_wait3A_381 : memref<128x128xf32, #tpu.memory_space<vmem>>) dst(%dma_wait3A_377 : memref<128x128xf32, #tpu.memory_space<vmem_shared>>)
      tpu.yield
    }) : () -> ()
    %add3A_22 = arith.constant 256 : i32
    %add3A_23 = arith.addi %mul3A_16, %add3A_22 : i32
    %run_scoped3A_24 = arith.constant 0 : i32
    "tpu.region"() ({
      %run_scoped3A_357 = tpu.sem_alloc : memref<!tpu.dma_semaphore, #tpu.memory_space<semaphore_mem>>
      %dma_start3A_358 = arith.constant 0 : i32
      %dma_start3A_359 = arith.constant 0 : i32
      %dma_start3A_360 = tpu.memref_slice %arg7[%run_scoped3A_24, %dma_start3A_358, %dma_start3A_359] : memref<2x128x128xf32, #tpu.memory_space<vmem>> -> memref<1x128x128xf32, #tpu.memory_space<vmem>>
      %dma_start3A_361 = tpu.memref_squeeze %dma_start3A_360 : memref<1x128x128xf32, #tpu.memory_space<vmem>> -> memref<128x128xf32, #tpu.memory_space<vmem>>
      %dma_start3A_362 = arith.constant 0 : i32
      %dma_start3A_363 = tpu.memref_slice %arg8[%add3A_23, %dma_start3A_362] : memref<10000x128xf32, #tpu.memory_space<vmem_shared>> -> memref<128x128xf32, #tpu.memory_space<vmem_shared>>
      %dma_start3A_364 = arith.constant 0 : i32
      %dma_start3A_365 = tpu.memref_slice %arg8[%add3A_23, %dma_start3A_364] : memref<10000x128xf32, #tpu.memory_space<vmem_shared>> -> memref<128x128xf32, #tpu.memory_space<vmem_shared>>
      %dma_start3A_366 = arith.constant 0 : i32
      %dma_start3A_367 = arith.constant 0 : i32
      %dma_start3A_368 = tpu.memref_slice %arg7[%run_scoped3A_24, %dma_start3A_366, %dma_start3A_367] : memref<2x128x128xf32, #tpu.memory_space<vmem>> -> memref<1x128x128xf32, #tpu.memory_space<vmem>>
      %dma_start3A_369 = tpu.memref_squeeze %dma_start3A_368 : memref<1x128x128xf32, #tpu.memory_space<vmem>> -> memref<128x128xf32, #tpu.memory_space<vmem>>
      tpu.enqueue_dma source(%dma_start3A_369 : memref<128x128xf32, #tpu.memory_space<vmem>>) target(%dma_start3A_365 : memref<128x128xf32, #tpu.memory_space<vmem_shared>>) target_semaphore(%run_scoped3A_357 : memref<!tpu.dma_semaphore, #tpu.memory_space<semaphore_mem>>)
      %dma_wait3A_370 = arith.constant 0 : i32
      %dma_wait3A_371 = arith.constant 0 : i32
      %dma_wait3A_372 = tpu.memref_slice %arg7[%run_scoped3A_24, %dma_wait3A_370, %dma_wait3A_371] : memref<2x128x128xf32, #tpu.memory_space<vmem>> -> memref<1x128x128xf32, #tpu.memory_space<vmem>>
      %dma_wait3A_373 = tpu.memref_squeeze %dma_wait3A_372 : memref<1x128x128xf32, #tpu.memory_space<vmem>> -> memref<128x128xf32, #tpu.memory_space<vmem>>
      %dma_wait3A_374 = arith.constant 0 : i32
      %dma_wait3A_375 = tpu.memref_slice %arg8[%add3A_23, %dma_wait3A_374] : memref<10000x128xf32, #tpu.memory_space<vmem_shared>> -> memref<128x128xf32, #tpu.memory_space<vmem_shared>>
      %dma_wait3A_376 = arith.constant 0 : i32
      %dma_wait3A_377 = tpu.memref_slice %arg8[%add3A_23, %dma_wait3A_376] : memref<10000x128xf32, #tpu.memory_space<vmem_shared>> -> memref<128x128xf32, #tpu.memory_space<vmem_shared>>
      %dma_wait3A_378 = arith.constant 0 : i32
      %dma_wait3A_379 = arith.constant 0 : i32
      %dma_wait3A_380 = tpu.memref_slice %arg7[%run_scoped3A_24, %dma_wait3A_378, %dma_wait3A_379] : memref<2x128x128xf32, #tpu.memory_space<vmem>> -> memref<1x128x128xf32, #tpu.memory_space<vmem>>
      %dma_wait3A_381 = tpu.memref_squeeze %dma_wait3A_380 : memref<1x128x128xf32, #tpu.memory_space<vmem>> -> memref<128x128xf32, #tpu.memory_space<vmem>>
      tpu.wait_dma2 semaphore(%run_scoped3A_357 : memref<!tpu.dma_semaphore, #tpu.memory_space<semaphore_mem>>) src(%dma_wait3A_381 : memref<128x128xf32, #tpu.memory_space<vmem>>) dst(%dma_wait3A_377 : memref<128x128xf32, #tpu.memory_space<vmem_shared>>)
      tpu.yield
    }) : () -> ()
    %add3A_25 = arith.constant 384 : i32
    %add3A_26 = arith.addi %mul3A_16, %add3A_25 : i32
    %run_scoped3A_27 = arith.constant 0 : i32
    "tpu.region"() ({
      %run_scoped3A_357 = tpu.sem_alloc : memref<!tpu.dma_semaphore, #tpu.memory_space<semaphore_mem>>
      %dma_start3A_358 = arith.constant 0 : i32
      %dma_start3A_359 = arith.constant 0 : i32
      %dma_start3A_360 = tpu.memref_slice %arg7[%run_scoped3A_27, %dma_start3A_358, %dma_start3A_359] : memref<2x128x128xf32, #tpu.memory_space<vmem>> -> memref<1x128x128xf32, #tpu.memory_space<vmem>>
      %dma_start3A_361 = tpu.memref_squeeze %dma_start3A_360 : memref<1x128x128xf32, #tpu.memory_space<vmem>> -> memref<128x128xf32, #tpu.memory_space<vmem>>
      %dma_start3A_362 = arith.constant 0 : i32
      %dma_start3A_363 = tpu.memref_slice %arg8[%add3A_26, %dma_start3A_362] : memref<10000x128xf32, #tpu.memory_space<vmem_shared>> -> memref<128x128xf32, #tpu.memory_space<vmem_shared>>
      %dma_start3A_364 = arith.constant 0 : i32
      %dma_start3A_365 = tpu.memref_slice %arg8[%add3A_26, %dma_start3A_364] : memref<10000x128xf32, #tpu.memory_space<vmem_shared>> -> memref<128x128xf32, #tpu.memory_space<vmem_shared>>
      %dma_start3A_366 = arith.constant 0 : i32
      %dma_start3A_367 = arith.constant 0 : i32
      %dma_start3A_368 = tpu.memref_slice %arg7[%run_scoped3A_27, %dma_start3A_366, %dma_start3A_367] : memref<2x128x128xf32, #tpu.memory_space<vmem>> -> memref<1x128x128xf32, #tpu.memory_space<vmem>>
      %dma_start3A_369 = tpu.memref_squeeze %dma_start3A_368 : memref<1x128x128xf32, #tpu.memory_space<vmem>> -> memref<128x128xf32, #tpu.memory_space<vmem>>
      tpu.enqueue_dma source(%dma_start3A_369 : memref<128x128xf32, #tpu.memory_space<vmem>>) target(%dma_start3A_365 : memref<128x128xf32, #tpu.memory_space<vmem_shared>>) target_semaphore(%run_scoped3A_357 : memref<!tpu.dma_semaphore, #tpu.memory_space<semaphore_mem>>)
      %dma_wait3A_370 = arith.constant 0 : i32
      %dma_wait3A_371 = arith.constant 0 : i32
      %dma_wait3A_372 = tpu.memref_slice %arg7[%run_scoped3A_27, %dma_wait3A_370, %dma_wait3A_371] : memref<2x128x128xf32, #tpu.memory_space<vmem>> -> memref<1x128x128xf32, #tpu.memory_space<vmem>>
      %dma_wait3A_373 = tpu.memref_squeeze %dma_wait3A_372 : memref<1x128x128xf32, #tpu.memory_space<vmem>> -> memref<128x128xf32, #tpu.memory_space<vmem>>
      %dma_wait3A_374 = arith.constant 0 : i32
      %dma_wait3A_375 = tpu.memref_slice %arg8[%add3A_26, %dma_wait3A_374] : memref<10000x128xf32, #tpu.memory_space<vmem_shared>> -> memref<128x128xf32, #tpu.memory_space<vmem_shared>>
      %dma_wait3A_376 = arith.constant 0 : i32
      %dma_wait3A_377 = tpu.memref_slice %arg8[%add3A_26, %dma_wait3A_376] : memref<10000x128xf32, #tpu.memory_space<vmem_shared>> -> memref<128x128xf32, #tpu.memory_space<vmem_shared>>
      %dma_wait3A_378 = arith.constant 0 : i32
      %dma_wait3A_379 = arith.constant 0 : i32
      %dma_wait3A_380 = tpu.memref_slice %arg7[%run_scoped3A_27, %dma_wait3A_378, %dma_wait3A_379] : memref<2x128x128xf32, #tpu.memory_space<vmem>> -> memref<1x128x128xf32, #tpu.memory_space<vmem>>
      %dma_wait3A_381 = tpu.memref_squeeze %dma_wait3A_380 : memref<1x128x128xf32, #tpu.memory_space<vmem>> -> memref<128x128xf32, #tpu.memory_space<vmem>>
      tpu.wait_dma2 semaphore(%run_scoped3A_357 : memref<!tpu.dma_semaphore, #tpu.memory_space<semaphore_mem>>) src(%dma_wait3A_381 : memref<128x128xf32, #tpu.memory_space<vmem>>) dst(%dma_wait3A_377 : memref<128x128xf32, #tpu.memory_space<vmem_shared>>)
      tpu.yield
    }) : () -> ()
    %add3A_28 = arith.constant 624 : i32
    %add3A_29 = arith.addi %mul3A_16, %add3A_28 : i32
    %sub3A = arith.constant 112 : i32
    %sub3A_30 = arith.subi %add3A_29, %sub3A : i32
    %run_scoped3A_31 = arith.constant 0 : i32
    "tpu.region"() ({
      %run_scoped3A_357 = tpu.sem_alloc : memref<!tpu.dma_semaphore, #tpu.memory_space<semaphore_mem>>
      %dma_start3A_358 = arith.constant 0 : i32
      %dma_start3A_359 = arith.constant 0 : i32
      %dma_start3A_360 = tpu.memref_slice %arg7[%run_scoped3A_31, %dma_start3A_358, %dma_start3A_359] : memref<2x128x128xf32, #tpu.memory_space<vmem>> -> memref<1x112x128xf32, #tpu.memory_space<vmem>>
      %dma_start3A_361 = tpu.memref_squeeze %dma_start3A_360 : memref<1x112x128xf32, #tpu.memory_space<vmem>> -> memref<112x128xf32, #tpu.memory_space<vmem>>
      %dma_start3A_362 = arith.constant 0 : i32
      %dma_start3A_363 = tpu.memref_slice %arg8[%sub3A_30, %dma_start3A_362] : memref<10000x128xf32, #tpu.memory_space<vmem_shared>> -> memref<112x128xf32, #tpu.memory_space<vmem_shared>>
      %dma_start3A_364 = arith.constant 0 : i32
      %dma_start3A_365 = tpu.memref_slice %arg8[%sub3A_30, %dma_start3A_364] : memref<10000x128xf32, #tpu.memory_space<vmem_shared>> -> memref<112x128xf32, #tpu.memory_space<vmem_shared>>
      %dma_start3A_366 = arith.constant 0 : i32
      %dma_start3A_367 = arith.constant 0 : i32
      %dma_start3A_368 = tpu.memref_slice %arg7[%run_scoped3A_31, %dma_start3A_366, %dma_start3A_367] : memref<2x128x128xf32, #tpu.memory_space<vmem>> -> memref<1x112x128xf32, #tpu.memory_space<vmem>>
      %dma_start3A_369 = tpu.memref_squeeze %dma_start3A_368 : memref<1x112x128xf32, #tpu.memory_space<vmem>> -> memref<112x128xf32, #tpu.memory_space<vmem>>
      tpu.enqueue_dma source(%dma_start3A_369 : memref<112x128xf32, #tpu.memory_space<vmem>>) target(%dma_start3A_365 : memref<112x128xf32, #tpu.memory_space<vmem_shared>>) target_semaphore(%run_scoped3A_357 : memref<!tpu.dma_semaphore, #tpu.memory_space<semaphore_mem>>)
      %dma_wait3A_370 = arith.constant 0 : i32
      %dma_wait3A_371 = arith.constant 0 : i32
      %dma_wait3A_372 = tpu.memref_slice %arg7[%run_scoped3A_31, %dma_wait3A_370, %dma_wait3A_371] : memref<2x128x128xf32, #tpu.memory_space<vmem>> -> memref<1x112x128xf32, #tpu.memory_space<vmem>>
      %dma_wait3A_373 = tpu.memref_squeeze %dma_wait3A_372 : memref<1x112x128xf32, #tpu.memory_space<vmem>> -> memref<112x128xf32, #tpu.memory_space<vmem>>
      %dma_wait3A_374 = arith.constant 0 : i32
      %dma_wait3A_375 = tpu.memref_slice %arg8[%sub3A_30, %dma_wait3A_374] : memref<10000x128xf32, #tpu.memory_space<vmem_shared>> -> memref<112x128xf32, #tpu.memory_space<vmem_shared>>
      %dma_wait3A_376 = arith.constant 0 : i32
      %dma_wait3A_377 = tpu.memref_slice %arg8[%sub3A_30, %dma_wait3A_376] : memref<10000x128xf32, #tpu.memory_space<vmem_shared>> -> memref<112x128xf32, #tpu.memory_space<vmem_shared>>
      %dma_wait3A_378 = arith.constant 0 : i32
      %dma_wait3A_379 = arith.constant 0 : i32
      %dma_wait3A_380 = tpu.memref_slice %arg7[%run_scoped3A_31, %dma_wait3A_378, %dma_wait3A_379] : memref<2x128x128xf32, #tpu.memory_space<vmem>> -> memref<1x112x128xf32, #tpu.memory_space<vmem>>
      %dma_wait3A_381 = tpu.memref_squeeze %dma_wait3A_380 : memref<1x112x128xf32, #tpu.memory_space<vmem>> -> memref<112x128xf32, #tpu.memory_space<vmem>>
      tpu.wait_dma2 semaphore(%run_scoped3A_357 : memref<!tpu.dma_semaphore, #tpu.memory_space<semaphore_mem>>) src(%dma_wait3A_381 : memref<112x128xf32, #tpu.memory_space<vmem>>) dst(%dma_wait3A_377 : memref<112x128xf32, #tpu.memory_space<vmem_shared>>)
      tpu.yield
    }) : () -> ()
    %eq3A = arith.constant 0 : i32
    %eq3A_32 = arith.cmpi eq, %arg1, %eq3A : i32
    %convert_element_type3A = arith.extui %eq3A_32 : i1 to i32
    %cond3A = arith.constant 0 : i32
    %cond3A_33 = arith.cmpi ne, %convert_element_type3A, %cond3A : i32
    scf.if %cond3A_33 {
      %run_scoped3A_357 = arith.constant 0 : i32
      "tpu.region"() ({
        %run_scoped3A_358 = tpu.sem_alloc : memref<!tpu.dma_semaphore, #tpu.memory_space<semaphore_mem>>
        %dma_start3A_359 = arith.constant 0 : i32
        %dma_start3A_360 = arith.constant 0 : i32
        %dma_start3A_361 = tpu.memref_slice %arg7[%run_scoped3A_357, %dma_start3A_359, %dma_start3A_360] : memref<2x128x128xf32, #tpu.memory_space<vmem>> -> memref<1x16x128xf32, #tpu.memory_space<vmem>>
        %dma_start3A_362 = tpu.memref_squeeze %dma_start3A_361 : memref<1x16x128xf32, #tpu.memory_space<vmem>> -> memref<16x128xf32, #tpu.memory_space<vmem>>
        %dma_start3A_363 = arith.constant 9984 : i32
        %dma_start3A_364 = arith.constant 0 : i32
        %dma_start3A_365 = tpu.memref_slice %arg8[%dma_start3A_363, %dma_start3A_364] : memref<10000x128xf32, #tpu.memory_space<vmem_shared>> -> memref<16x128xf32, #tpu.memory_space<vmem_shared>>
        %dma_start3A_366 = arith.constant 9984 : i32
        %dma_start3A_367 = arith.constant 0 : i32
        %dma_start3A_368 = tpu.memref_slice %arg8[%dma_start3A_366, %dma_start3A_367] : memref<10000x128xf32, #tpu.memory_space<vmem_shared>> -> memref<16x128xf32, #tpu.memory_space<vmem_shared>>
        %dma_start3A_369 = arith.constant 0 : i32
        %dma_start3A_370 = arith.constant 0 : i32
        %dma_start3A_371 = tpu.memref_slice %arg7[%run_scoped3A_357, %dma_start3A_369, %dma_start3A_370] : memref<2x128x128xf32, #tpu.memory_space<vmem>> -> memref<1x16x128xf32, #tpu.memory_space<vmem>>
        %dma_start3A_372 = tpu.memref_squeeze %dma_start3A_371 : memref<1x16x128xf32, #tpu.memory_space<vmem>> -> memref<16x128xf32, #tpu.memory_space<vmem>>
        tpu.enqueue_dma source(%dma_start3A_372 : memref<16x128xf32, #tpu.memory_space<vmem>>) target(%dma_start3A_368 : memref<16x128xf32, #tpu.memory_space<vmem_shared>>) target_semaphore(%run_scoped3A_358 : memref<!tpu.dma_semaphore, #tpu.memory_space<semaphore_mem>>)
        %dma_wait3A_373 = arith.constant 0 : i32
        %dma_wait3A_374 = arith.constant 0 : i32
        %dma_wait3A_375 = tpu.memref_slice %arg7[%run_scoped3A_357, %dma_wait3A_373, %dma_wait3A_374] : memref<2x128x128xf32, #tpu.memory_space<vmem>> -> memref<1x16x128xf32, #tpu.memory_space<vmem>>
        %dma_wait3A_376 = tpu.memref_squeeze %dma_wait3A_375 : memref<1x16x128xf32, #tpu.memory_space<vmem>> -> memref<16x128xf32, #tpu.memory_space<vmem>>
        %dma_wait3A_377 = arith.constant 9984 : i32
        %dma_wait3A_378 = arith.constant 0 : i32
        %dma_wait3A_379 = tpu.memref_slice %arg8[%dma_wait3A_377, %dma_wait3A_378] : memref<10000x128xf32, #tpu.memory_space<vmem_shared>> -> memref<16x128xf32, #tpu.memory_space<vmem_shared>>
        %dma_wait3A_380 = arith.constant 9984 : i32
        %dma_wait3A_381 = arith.constant 0 : i32
        %dma_wait3A_382 = tpu.memref_slice %arg8[%dma_wait3A_380, %dma_wait3A_381] : memref<10000x128xf32, #tpu.memory_space<vmem_shared>> -> memref<16x128xf32, #tpu.memory_space<vmem_shared>>
        %dma_wait3A_383 = arith.constant 0 : i32
        %dma_wait3A_384 = arith.constant 0 : i32
        %dma_wait3A_385 = tpu.memref_slice %arg7[%run_scoped3A_357, %dma_wait3A_383, %dma_wait3A_384] : memref<2x128x128xf32, #tpu.memory_space<vmem>> -> memref<1x16x128xf32, #tpu.memory_space<vmem>>
        %dma_wait3A_386 = tpu.memref_squeeze %dma_wait3A_385 : memref<1x16x128xf32, #tpu.memory_space<vmem>> -> memref<16x128xf32, #tpu.memory_space<vmem>>
        tpu.wait_dma2 semaphore(%run_scoped3A_358 : memref<!tpu.dma_semaphore, #tpu.memory_space<semaphore_mem>>) src(%dma_wait3A_386 : memref<16x128xf32, #tpu.memory_space<vmem>>) dst(%dma_wait3A_382 : memref<16x128xf32, #tpu.memory_space<vmem_shared>>)
        tpu.yield
      }) : () -> ()
    } else {
    }
    %barrier3A = arith.constant 0 : index
    tpu.barrier barrier_id(%barrier3A)
    %mul3A_34 = arith.constant 78 : i32
    %mul3A_35 = arith.muli %add3A, %mul3A_34 : i32
    %add3A_36 = arith.constant 0 : i32
    %add3A_37 = arith.addi %mul3A_35, %add3A_36 : i32
    %mul3A_38 = arith.constant 128 : i32
    %mul3A_39 = arith.muli %add3A_37, %mul3A_38 : i32
    %dma_wait3A = arith.constant 0 : i32
    %dma_wait3A_40 = tpu.memref_slice %arg3[%dma_wait3A, %mul3A_39] : memref<2x320000xi32, #tpu.memory_space<hbm>> -> memref<2x4992xi32, #tpu.memory_space<hbm>>
    %dma_wait3A_41 = arith.constant 0 : i32
    %dma_wait3A_42 = tpu.memref_slice %arg3[%dma_wait3A_41, %mul3A_39] : memref<2x320000xi32, #tpu.memory_space<hbm>> -> memref<2x4992xi32, #tpu.memory_space<hbm>>
    tpu.wait_dma2 semaphore(%arg9 : memref<!tpu.dma_semaphore, #tpu.memory_space<semaphore_mem>>) src(%dma_wait3A_42 : memref<2x4992xi32, #tpu.memory_space<hbm>>) dst(%arg5 : memref<2x4992xi32, #tpu.memory_space<vmem>>)
    %dma_start3A_43 = arith.constant 0 : i32
    %dma_start3A_44 = arith.constant 0 : i32
    %dma_start3A_45 = arith.constant 0 : i32
    %dma_start3A_46 = arith.constant 0 : i32
    %dma_start3A_47 = tpu.memref_slice %arg7[%dma_start3A_44, %dma_start3A_45, %dma_start3A_46] : memref<2x128x128xf32, #tpu.memory_space<vmem>> -> memref<1x128x128xf32, #tpu.memory_space<vmem>>
    %dma_start3A_48 = tpu.memref_squeeze %dma_start3A_47 : memref<1x128x128xf32, #tpu.memory_space<vmem>> -> memref<128x128xf32, #tpu.memory_space<vmem>>
    %dma_start3A_49 = arith.constant 0 : i32
    %dma_start3A_50 = tpu.memref_slice %arg5[%dma_start3A_43, %dma_start3A_49] : memref<2x4992xi32, #tpu.memory_space<vmem>> -> memref<1x128xi32, #tpu.memory_space<vmem>>
    %dma_start3A_51 = tpu.memref_squeeze %dma_start3A_50 : memref<1x128xi32, #tpu.memory_space<vmem>> -> memref<128xi32, #tpu.memory_space<vmem>>
    %dma_start3A_52 = arith.constant 0 : i32
    %dma_start3A_53 = arith.constant 0 : i32
    %dma_start3A_54 = tpu.memref_slice %arg2[%dma_start3A_52, %dma_start3A_53] : memref<10000x128xf32, #tpu.memory_space<hbm>> -> memref<10000x128xf32, #tpu.memory_space<hbm>>
    tpu.enqueue_indirect_dma source(%dma_start3A_54 : memref<10000x128xf32, #tpu.memory_space<hbm>>) target(%dma_start3A_48 : memref<128x128xf32, #tpu.memory_space<vmem>>) offsets(%dma_start3A_51 : memref<128xi32, #tpu.memory_space<vmem>>) semaphore(%arg9 : memref<!tpu.dma_semaphore, #tpu.memory_space<semaphore_mem>>)
    %dma_start3A_55 = arith.constant 0 : i32
    %dma_start3A_56 = arith.constant 1 : i32
    %dma_start3A_57 = arith.constant 0 : i32
    %dma_start3A_58 = arith.constant 0 : i32
    %dma_start3A_59 = tpu.memref_slice %arg7[%dma_start3A_56, %dma_start3A_57, %dma_start3A_58] : memref<2x128x128xf32, #tpu.memory_space<vmem>> -> memref<1x128x128xf32, #tpu.memory_space<vmem>>
    %dma_start3A_60 = tpu.memref_squeeze %dma_start3A_59 : memref<1x128x128xf32, #tpu.memory_space<vmem>> -> memref<128x128xf32, #tpu.memory_space<vmem>>
    %dma_start3A_61 = arith.constant 128 : i32
    %dma_start3A_62 = tpu.memref_slice %arg5[%dma_start3A_55, %dma_start3A_61] : memref<2x4992xi32, #tpu.memory_space<vmem>> -> memref<1x128xi32, #tpu.memory_space<vmem>>
    %dma_start3A_63 = tpu.memref_squeeze %dma_start3A_62 : memref<1x128xi32, #tpu.memory_space<vmem>> -> memref<128xi32, #tpu.memory_space<vmem>>
    %dma_start3A_64 = arith.constant 0 : i32
    %dma_start3A_65 = arith.constant 0 : i32
    %dma_start3A_66 = tpu.memref_slice %arg2[%dma_start3A_64, %dma_start3A_65] : memref<10000x128xf32, #tpu.memory_space<hbm>> -> memref<10000x128xf32, #tpu.memory_space<hbm>>
    tpu.enqueue_indirect_dma source(%dma_start3A_66 : memref<10000x128xf32, #tpu.memory_space<hbm>>) target(%dma_start3A_60 : memref<128x128xf32, #tpu.memory_space<vmem>>) offsets(%dma_start3A_63 : memref<128xi32, #tpu.memory_space<vmem>>) semaphore(%arg10 : memref<!tpu.dma_semaphore, #tpu.memory_space<semaphore_mem>>)
    %scan3A_67 = arith.constant 0 : i32
    %scan3A_68 = arith.constant 18 : i32
    %scan3A_69 = arith.addi %scan3A_67, %scan3A_68 : i32
    %scan3A_70 = arith.constant 1 : i32
    scf.for %scan3A_357 = %scan3A_67 to %scan3A_69 step %scan3A_70  : i32 {
      %mul3A_358 = arith.constant 2 : i32
      %mul3A_359 = arith.muli %scan3A_357, %mul3A_358 : i32
      %add3A_360 = arith.constant 0 : i32
      %add3A_361 = arith.addi %add3A_360, %mul3A_359 : i32
      %add3A_362 = arith.constant 0 : i32
      %add3A_363 = arith.addi %add3A_361, %add3A_362 : i32
      %mul3A_364 = arith.constant 128 : i32
      %mul3A_365 = arith.muli %add3A_363, %mul3A_364 : i32
      %dma_wait3A_366 = arith.constant 0 : i32
      %dma_wait3A_367 = arith.constant 0 : i32
      %dma_wait3A_368 = arith.constant 0 : i32
      %dma_wait3A_369 = arith.constant 0 : i32
      %dma_wait3A_370 = tpu.memref_slice %arg7[%dma_wait3A_367, %dma_wait3A_368, %dma_wait3A_369] : memref<2x128x128xf32, #tpu.memory_space<vmem>> -> memref<1x128x128xf32, #tpu.memory_space<vmem>>
      %dma_wait3A_371 = tpu.memref_squeeze %dma_wait3A_370 : memref<1x128x128xf32, #tpu.memory_space<vmem>> -> memref<128x128xf32, #tpu.memory_space<vmem>>
      %dma_wait3A_372 = tpu.memref_slice %arg5[%dma_wait3A_366, %mul3A_365] : memref<2x4992xi32, #tpu.memory_space<vmem>> -> memref<1x128xi32, #tpu.memory_space<vmem>>
      %dma_wait3A_373 = tpu.memref_squeeze %dma_wait3A_372 : memref<1x128xi32, #tpu.memory_space<vmem>> -> memref<128xi32, #tpu.memory_space<vmem>>
      %dma_wait3A_374 = arith.constant 0 : i32
      %dma_wait3A_375 = arith.constant 0 : i32
      %dma_wait3A_376 = tpu.memref_slice %arg2[%dma_wait3A_374, %dma_wait3A_375] : memref<10000x128xf32, #tpu.memory_space<hbm>> -> memref<10000x128xf32, #tpu.memory_space<hbm>>
      tpu.wait_indirect_dma semaphore(%arg9 : memref<!tpu.dma_semaphore, #tpu.memory_space<semaphore_mem>>) src(%dma_wait3A_376 : memref<10000x128xf32, #tpu.memory_space<hbm>>) dst(%dma_wait3A_371 : memref<128x128xf32, #tpu.memory_space<vmem>>)
      %mul3A_377 = arith.constant 128 : i32
      %mul3A_378 = arith.muli %add3A_363, %mul3A_377 : i32
      %dma_start3A_379 = arith.constant 0 : i32
      %dma_start3A_380 = arith.constant 1 : i32
      %dma_start3A_381 = arith.constant 0 : i32
      %dma_start3A_382 = arith.constant 0 : i32
      %dma_start3A_383 = tpu.memref_slice %arg7[%dma_start3A_379, %dma_start3A_381, %dma_start3A_382] : memref<2x128x128xf32, #tpu.memory_space<vmem>> -> memref<1x128x128xf32, #tpu.memory_space<vmem>>
      %dma_start3A_384 = tpu.memref_squeeze %dma_start3A_383 : memref<1x128x128xf32, #tpu.memory_space<vmem>> -> memref<128x128xf32, #tpu.memory_space<vmem>>
      %dma_start3A_385 = tpu.memref_slice %arg5[%dma_start3A_380, %mul3A_378] : memref<2x4992xi32, #tpu.memory_space<vmem>> -> memref<1x128xi32, #tpu.memory_space<vmem>>
      %dma_start3A_386 = tpu.memref_squeeze %dma_start3A_385 : memref<1x128xi32, #tpu.memory_space<vmem>> -> memref<128xi32, #tpu.memory_space<vmem>>
      %dma_start3A_387 = arith.constant 0 : i32
      %dma_start3A_388 = arith.constant 0 : i32
      %dma_start3A_389 = tpu.memref_slice %arg8[%dma_start3A_387, %dma_start3A_388] : memref<10000x128xf32, #tpu.memory_space<vmem_shared>> -> memref<10000x128xf32, #tpu.memory_space<vmem_shared>>
      tpu.enqueue_indirect_dma source(%dma_start3A_384 : memref<128x128xf32, #tpu.memory_space<vmem>>) target(%dma_start3A_389 : memref<10000x128xf32, #tpu.memory_space<vmem_shared>>) offsets(%dma_start3A_386 : memref<128xi32, #tpu.memory_space<vmem>>) semaphore(%arg11 : memref<!tpu.dma_semaphore, #tpu.memory_space<semaphore_mem>>) {add = true}
      %mul3A_390 = arith.constant 128 : i32
      %mul3A_391 = arith.muli %add3A_363, %mul3A_390 : i32
      %dma_wait3A_392 = arith.constant 0 : i32
      %dma_wait3A_393 = arith.constant 1 : i32
      %dma_wait3A_394 = arith.constant 0 : i32
      %dma_wait3A_395 = arith.constant 0 : i32
      %dma_wait3A_396 = tpu.memref_slice %arg7[%dma_wait3A_392, %dma_wait3A_394, %dma_wait3A_395] : memref<2x128x128xf32, #tpu.memory_space<vmem>> -> memref<1x128x128xf32, #tpu.memory_space<vmem>>
      %dma_wait3A_397 = tpu.memref_squeeze %dma_wait3A_396 : memref<1x128x128xf32, #tpu.memory_space<vmem>> -> memref<128x128xf32, #tpu.memory_space<vmem>>
      %dma_wait3A_398 = tpu.memref_slice %arg5[%dma_wait3A_393, %mul3A_391] : memref<2x4992xi32, #tpu.memory_space<vmem>> -> memref<1x128xi32, #tpu.memory_space<vmem>>
      %dma_wait3A_399 = tpu.memref_squeeze %dma_wait3A_398 : memref<1x128xi32, #tpu.memory_space<vmem>> -> memref<128xi32, #tpu.memory_space<vmem>>
      %dma_wait3A_400 = arith.constant 0 : i32
      %dma_wait3A_401 = arith.constant 0 : i32
      %dma_wait3A_402 = tpu.memref_slice %arg8[%dma_wait3A_400, %dma_wait3A_401] : memref<10000x128xf32, #tpu.memory_space<vmem_shared>> -> memref<10000x128xf32, #tpu.memory_space<vmem_shared>>
      tpu.wait_indirect_dma semaphore(%arg11 : memref<!tpu.dma_semaphore, #tpu.memory_space<semaphore_mem>>) src(%dma_wait3A_397 : memref<128x128xf32, #tpu.memory_space<vmem>>) dst(%dma_wait3A_402 : memref<10000x128xf32, #tpu.memory_space<vmem_shared>>)
      %add3A_403 = arith.constant 2 : i32
      %add3A_404 = arith.addi %add3A_363, %add3A_403 : i32
      %mul3A_405 = arith.constant 128 : i32
      %mul3A_406 = arith.muli %add3A_404, %mul3A_405 : i32
      %dma_start3A_407 = arith.constant 0 : i32
      %dma_start3A_408 = arith.constant 0 : i32
      %dma_start3A_409 = arith.constant 0 : i32
      %dma_start3A_410 = arith.constant 0 : i32
      %dma_start3A_411 = tpu.memref_slice %arg7[%dma_start3A_408, %dma_start3A_409, %dma_start3A_410] : memref<2x128x128xf32, #tpu.memory_space<vmem>> -> memref<1x128x128xf32, #tpu.memory_space<vmem>>
      %dma_start3A_412 = tpu.memref_squeeze %dma_start3A_411 : memref<1x128x128xf32, #tpu.memory_space<vmem>> -> memref<128x128xf32, #tpu.memory_space<vmem>>
      %dma_start3A_413 = tpu.memref_slice %arg5[%dma_start3A_407, %mul3A_406] : memref<2x4992xi32, #tpu.memory_space<vmem>> -> memref<1x128xi32, #tpu.memory_space<vmem>>
      %dma_start3A_414 = tpu.memref_squeeze %dma_start3A_413 : memref<1x128xi32, #tpu.memory_space<vmem>> -> memref<128xi32, #tpu.memory_space<vmem>>
      %dma_start3A_415 = arith.constant 0 : i32
      %dma_start3A_416 = arith.constant 0 : i32
      %dma_start3A_417 = tpu.memref_slice %arg2[%dma_start3A_415, %dma_start3A_416] : memref<10000x128xf32, #tpu.memory_space<hbm>> -> memref<10000x128xf32, #tpu.memory_space<hbm>>
      tpu.enqueue_indirect_dma source(%dma_start3A_417 : memref<10000x128xf32, #tpu.memory_space<hbm>>) target(%dma_start3A_412 : memref<128x128xf32, #tpu.memory_space<vmem>>) offsets(%dma_start3A_414 : memref<128xi32, #tpu.memory_space<vmem>>) semaphore(%arg9 : memref<!tpu.dma_semaphore, #tpu.memory_space<semaphore_mem>>)
      %add3A_418 = arith.constant 1 : i32
      %add3A_419 = arith.addi %add3A_361, %add3A_418 : i32
      %mul3A_420 = arith.constant 128 : i32
      %mul3A_421 = arith.muli %add3A_419, %mul3A_420 : i32
      %dma_wait3A_422 = arith.constant 0 : i32
      %dma_wait3A_423 = arith.constant 1 : i32
      %dma_wait3A_424 = arith.constant 0 : i32
      %dma_wait3A_425 = arith.constant 0 : i32
      %dma_wait3A_426 = tpu.memref_slice %arg7[%dma_wait3A_423, %dma_wait3A_424, %dma_wait3A_425] : memref<2x128x128xf32, #tpu.memory_space<vmem>> -> memref<1x128x128xf32, #tpu.memory_space<vmem>>
      %dma_wait3A_427 = tpu.memref_squeeze %dma_wait3A_426 : memref<1x128x128xf32, #tpu.memory_space<vmem>> -> memref<128x128xf32, #tpu.memory_space<vmem>>
      %dma_wait3A_428 = tpu.memref_slice %arg5[%dma_wait3A_422, %mul3A_421] : memref<2x4992xi32, #tpu.memory_space<vmem>> -> memref<1x128xi32, #tpu.memory_space<vmem>>
      %dma_wait3A_429 = tpu.memref_squeeze %dma_wait3A_428 : memref<1x128xi32, #tpu.memory_space<vmem>> -> memref<128xi32, #tpu.memory_space<vmem>>
      %dma_wait3A_430 = arith.constant 0 : i32
      %dma_wait3A_431 = arith.constant 0 : i32
      %dma_wait3A_432 = tpu.memref_slice %arg2[%dma_wait3A_430, %dma_wait3A_431] : memref<10000x128xf32, #tpu.memory_space<hbm>> -> memref<10000x128xf32, #tpu.memory_space<hbm>>
      tpu.wait_indirect_dma semaphore(%arg10 : memref<!tpu.dma_semaphore, #tpu.memory_space<semaphore_mem>>) src(%dma_wait3A_432 : memref<10000x128xf32, #tpu.memory_space<hbm>>) dst(%dma_wait3A_427 : memref<128x128xf32, #tpu.memory_space<vmem>>)
      %mul3A_433 = arith.constant 128 : i32
      %mul3A_434 = arith.muli %add3A_419, %mul3A_433 : i32
      %dma_start3A_435 = arith.constant 1 : i32
      %dma_start3A_436 = arith.constant 1 : i32
      %dma_start3A_437 = arith.constant 0 : i32
      %dma_start3A_438 = arith.constant 0 : i32
      %dma_start3A_439 = tpu.memref_slice %arg7[%dma_start3A_435, %dma_start3A_437, %dma_start3A_438] : memref<2x128x128xf32, #tpu.memory_space<vmem>> -> memref<1x128x128xf32, #tpu.memory_space<vmem>>
      %dma_start3A_440 = tpu.memref_squeeze %dma_start3A_439 : memref<1x128x128xf32, #tpu.memory_space<vmem>> -> memref<128x128xf32, #tpu.memory_space<vmem>>
      %dma_start3A_441 = tpu.memref_slice %arg5[%dma_start3A_436, %mul3A_434] : memref<2x4992xi32, #tpu.memory_space<vmem>> -> memref<1x128xi32, #tpu.memory_space<vmem>>
      %dma_start3A_442 = tpu.memref_squeeze %dma_start3A_441 : memref<1x128xi32, #tpu.memory_space<vmem>> -> memref<128xi32, #tpu.memory_space<vmem>>
      %dma_start3A_443 = arith.constant 0 : i32
      %dma_start3A_444 = arith.constant 0 : i32
      %dma_start3A_445 = tpu.memref_slice %arg8[%dma_start3A_443, %dma_start3A_444] : memref<10000x128xf32, #tpu.memory_space<vmem_shared>> -> memref<10000x128xf32, #tpu.memory_space<vmem_shared>>
      tpu.enqueue_indirect_dma source(%dma_start3A_440 : memref<128x128xf32, #tpu.memory_space<vmem>>) target(%dma_start3A_445 : memref<10000x128xf32, #tpu.memory_space<vmem_shared>>) offsets(%dma_start3A_442 : memref<128xi32, #tpu.memory_space<vmem>>) semaphore(%arg12 : memref<!tpu.dma_semaphore, #tpu.memory_space<semaphore_mem>>) {add = true}
      %mul3A_446 = arith.constant 128 : i32
      %mul3A_447 = arith.muli %add3A_419, %mul3A_446 : i32
      %dma_wait3A_448 = arith.constant 1 : i32
      %dma_wait3A_449 = arith.constant 1 : i32
      %dma_wait3A_450 = arith.constant 0 : i32
      %dma_wait3A_451 = arith.constant 0 : i32
      %dma_wait3A_452 = tpu.memref_slice %arg7[%dma_wait3A_448, %dma_wait3A_450, %dma_wait3A_451] : memref<2x128x128xf32, #tpu.memory_space<vmem>> -> memref<1x128x128xf32, #tpu.memory_space<vmem>>
      %dma_wait3A_453 = tpu.memref_squeeze %dma_wait3A_452 : memref<1x128x128xf32, #tpu.memory_space<vmem>> -> memref<128x128xf32, #tpu.memory_space<vmem>>
      %dma_wait3A_454 = tpu.memref_slice %arg5[%dma_wait3A_449, %mul3A_447] : memref<2x4992xi32, #tpu.memory_space<vmem>> -> memref<1x128xi32, #tpu.memory_space<vmem>>
      %dma_wait3A_455 = tpu.memref_squeeze %dma_wait3A_454 : memref<1x128xi32, #tpu.memory_space<vmem>> -> memref<128xi32, #tpu.memory_space<vmem>>
      %dma_wait3A_456 = arith.constant 0 : i32
      %dma_wait3A_457 = arith.constant 0 : i32
      %dma_wait3A_458 = tpu.memref_slice %arg8[%dma_wait3A_456, %dma_wait3A_457] : memref<10000x128xf32, #tpu.memory_space<vmem_shared>> -> memref<10000x128xf32, #tpu.memory_space<vmem_shared>>
      tpu.wait_indirect_dma semaphore(%arg12 : memref<!tpu.dma_semaphore, #tpu.memory_space<semaphore_mem>>) src(%dma_wait3A_453 : memref<128x128xf32, #tpu.memory_space<vmem>>) dst(%dma_wait3A_458 : memref<10000x128xf32, #tpu.memory_space<vmem_shared>>)
      %add3A_459 = arith.constant 2 : i32
      %add3A_460 = arith.addi %add3A_419, %add3A_459 : i32
      %mul3A_461 = arith.constant 128 : i32
      %mul3A_462 = arith.muli %add3A_460, %mul3A_461 : i32
      %dma_start3A_463 = arith.constant 0 : i32
      %dma_start3A_464 = arith.constant 1 : i32
      %dma_start3A_465 = arith.constant 0 : i32
      %dma_start3A_466 = arith.constant 0 : i32
      %dma_start3A_467 = tpu.memref_slice %arg7[%dma_start3A_464, %dma_start3A_465, %dma_start3A_466] : memref<2x128x128xf32, #tpu.memory_space<vmem>> -> memref<1x128x128xf32, #tpu.memory_space<vmem>>
      %dma_start3A_468 = tpu.memref_squeeze %dma_start3A_467 : memref<1x128x128xf32, #tpu.memory_space<vmem>> -> memref<128x128xf32, #tpu.memory_space<vmem>>
      %dma_start3A_469 = tpu.memref_slice %arg5[%dma_start3A_463, %mul3A_462] : memref<2x4992xi32, #tpu.memory_space<vmem>> -> memref<1x128xi32, #tpu.memory_space<vmem>>
      %dma_start3A_470 = tpu.memref_squeeze %dma_start3A_469 : memref<1x128xi32, #tpu.memory_space<vmem>> -> memref<128xi32, #tpu.memory_space<vmem>>
      %dma_start3A_471 = arith.constant 0 : i32
      %dma_start3A_472 = arith.constant 0 : i32
      %dma_start3A_473 = tpu.memref_slice %arg2[%dma_start3A_471, %dma_start3A_472] : memref<10000x128xf32, #tpu.memory_space<hbm>> -> memref<10000x128xf32, #tpu.memory_space<hbm>>
      tpu.enqueue_indirect_dma source(%dma_start3A_473 : memref<10000x128xf32, #tpu.memory_space<hbm>>) target(%dma_start3A_468 : memref<128x128xf32, #tpu.memory_space<vmem>>) offsets(%dma_start3A_470 : memref<128xi32, #tpu.memory_space<vmem>>) semaphore(%arg10 : memref<!tpu.dma_semaphore, #tpu.memory_space<semaphore_mem>>)
    }
    %scan3A_71 = arith.constant 18 : i32
    %dma_wait3A_72 = arith.constant 0 : i32
    %dma_wait3A_73 = arith.constant 0 : i32
    %dma_wait3A_74 = arith.constant 0 : i32
    %dma_wait3A_75 = arith.constant 0 : i32
    %dma_wait3A_76 = tpu.memref_slice %arg7[%dma_wait3A_73, %dma_wait3A_74, %dma_wait3A_75] : memref<2x128x128xf32, #tpu.memory_space<vmem>> -> memref<1x128x128xf32, #tpu.memory_space<vmem>>
    %dma_wait3A_77 = tpu.memref_squeeze %dma_wait3A_76 : memref<1x128x128xf32, #tpu.memory_space<vmem>> -> memref<128x128xf32, #tpu.memory_space<vmem>>
    %dma_wait3A_78 = arith.constant 4608 : i32
    %dma_wait3A_79 = tpu.memref_slice %arg5[%dma_wait3A_72, %dma_wait3A_78] : memref<2x4992xi32, #tpu.memory_space<vmem>> -> memref<1x128xi32, #tpu.memory_space<vmem>>
    %dma_wait3A_80 = tpu.memref_squeeze %dma_wait3A_79 : memref<1x128xi32, #tpu.memory_space<vmem>> -> memref<128xi32, #tpu.memory_space<vmem>>
    %dma_wait3A_81 = arith.constant 0 : i32
    %dma_wait3A_82 = arith.constant 0 : i32
    %dma_wait3A_83 = tpu.memref_slice %arg2[%dma_wait3A_81, %dma_wait3A_82] : memref<10000x128xf32, #tpu.memory_space<hbm>> -> memref<10000x128xf32, #tpu.memory_space<hbm>>
    tpu.wait_indirect_dma semaphore(%arg9 : memref<!tpu.dma_semaphore, #tpu.memory_space<semaphore_mem>>) src(%dma_wait3A_83 : memref<10000x128xf32, #tpu.memory_space<hbm>>) dst(%dma_wait3A_77 : memref<128x128xf32, #tpu.memory_space<vmem>>)
    %dma_start3A_84 = arith.constant 0 : i32
    %dma_start3A_85 = arith.constant 1 : i32
    %dma_start3A_86 = arith.constant 0 : i32
    %dma_start3A_87 = arith.constant 0 : i32
    %dma_start3A_88 = tpu.memref_slice %arg7[%dma_start3A_84, %dma_start3A_86, %dma_start3A_87] : memref<2x128x128xf32, #tpu.memory_space<vmem>> -> memref<1x128x128xf32, #tpu.memory_space<vmem>>
    %dma_start3A_89 = tpu.memref_squeeze %dma_start3A_88 : memref<1x128x128xf32, #tpu.memory_space<vmem>> -> memref<128x128xf32, #tpu.memory_space<vmem>>
    %dma_start3A_90 = arith.constant 4608 : i32
    %dma_start3A_91 = tpu.memref_slice %arg5[%dma_start3A_85, %dma_start3A_90] : memref<2x4992xi32, #tpu.memory_space<vmem>> -> memref<1x128xi32, #tpu.memory_space<vmem>>
    %dma_start3A_92 = tpu.memref_squeeze %dma_start3A_91 : memref<1x128xi32, #tpu.memory_space<vmem>> -> memref<128xi32, #tpu.memory_space<vmem>>
    %dma_start3A_93 = arith.constant 0 : i32
    %dma_start3A_94 = arith.constant 0 : i32
    %dma_start3A_95 = tpu.memref_slice %arg8[%dma_start3A_93, %dma_start3A_94] : memref<10000x128xf32, #tpu.memory_space<vmem_shared>> -> memref<10000x128xf32, #tpu.memory_space<vmem_shared>>
    tpu.enqueue_indirect_dma source(%dma_start3A_89 : memref<128x128xf32, #tpu.memory_space<vmem>>) target(%dma_start3A_95 : memref<10000x128xf32, #tpu.memory_space<vmem_shared>>) offsets(%dma_start3A_92 : memref<128xi32, #tpu.memory_space<vmem>>) semaphore(%arg11 : memref<!tpu.dma_semaphore, #tpu.memory_space<semaphore_mem>>) {add = true}
    %dma_wait3A_96 = arith.constant 0 : i32
    %dma_wait3A_97 = arith.constant 1 : i32
    %dma_wait3A_98 = arith.constant 0 : i32
    %dma_wait3A_99 = arith.constant 0 : i32
    %dma_wait3A_100 = tpu.memref_slice %arg7[%dma_wait3A_96, %dma_wait3A_98, %dma_wait3A_99] : memref<2x128x128xf32, #tpu.memory_space<vmem>> -> memref<1x128x128xf32, #tpu.memory_space<vmem>>
    %dma_wait3A_101 = tpu.memref_squeeze %dma_wait3A_100 : memref<1x128x128xf32, #tpu.memory_space<vmem>> -> memref<128x128xf32, #tpu.memory_space<vmem>>
    %dma_wait3A_102 = arith.constant 4608 : i32
    %dma_wait3A_103 = tpu.memref_slice %arg5[%dma_wait3A_97, %dma_wait3A_102] : memref<2x4992xi32, #tpu.memory_space<vmem>> -> memref<1x128xi32, #tpu.memory_space<vmem>>
    %dma_wait3A_104 = tpu.memref_squeeze %dma_wait3A_103 : memref<1x128xi32, #tpu.memory_space<vmem>> -> memref<128xi32, #tpu.memory_space<vmem>>
    %dma_wait3A_105 = arith.constant 0 : i32
    %dma_wait3A_106 = arith.constant 0 : i32
    %dma_wait3A_107 = tpu.memref_slice %arg8[%dma_wait3A_105, %dma_wait3A_106] : memref<10000x128xf32, #tpu.memory_space<vmem_shared>> -> memref<10000x128xf32, #tpu.memory_space<vmem_shared>>
    tpu.wait_indirect_dma semaphore(%arg11 : memref<!tpu.dma_semaphore, #tpu.memory_space<semaphore_mem>>) src(%dma_wait3A_101 : memref<128x128xf32, #tpu.memory_space<vmem>>) dst(%dma_wait3A_107 : memref<10000x128xf32, #tpu.memory_space<vmem_shared>>)
    %dma_start3A_108 = arith.constant 0 : i32
    %dma_start3A_109 = arith.constant 0 : i32
    %dma_start3A_110 = arith.constant 0 : i32
    %dma_start3A_111 = arith.constant 0 : i32
    %dma_start3A_112 = tpu.memref_slice %arg7[%dma_start3A_109, %dma_start3A_110, %dma_start3A_111] : memref<2x128x128xf32, #tpu.memory_space<vmem>> -> memref<1x128x128xf32, #tpu.memory_space<vmem>>
    %dma_start3A_113 = tpu.memref_squeeze %dma_start3A_112 : memref<1x128x128xf32, #tpu.memory_space<vmem>> -> memref<128x128xf32, #tpu.memory_space<vmem>>
    %dma_start3A_114 = arith.constant 4864 : i32
    %dma_start3A_115 = tpu.memref_slice %arg5[%dma_start3A_108, %dma_start3A_114] : memref<2x4992xi32, #tpu.memory_space<vmem>> -> memref<1x128xi32, #tpu.memory_space<vmem>>
    %dma_start3A_116 = tpu.memref_squeeze %dma_start3A_115 : memref<1x128xi32, #tpu.memory_space<vmem>> -> memref<128xi32, #tpu.memory_space<vmem>>
    %dma_start3A_117 = arith.constant 0 : i32
    %dma_start3A_118 = arith.constant 0 : i32
    %dma_start3A_119 = tpu.memref_slice %arg2[%dma_start3A_117, %dma_start3A_118] : memref<10000x128xf32, #tpu.memory_space<hbm>> -> memref<10000x128xf32, #tpu.memory_space<hbm>>
    tpu.enqueue_indirect_dma source(%dma_start3A_119 : memref<10000x128xf32, #tpu.memory_space<hbm>>) target(%dma_start3A_113 : memref<128x128xf32, #tpu.memory_space<vmem>>) offsets(%dma_start3A_116 : memref<128xi32, #tpu.memory_space<vmem>>) semaphore(%arg9 : memref<!tpu.dma_semaphore, #tpu.memory_space<semaphore_mem>>)
    %dma_wait3A_120 = arith.constant 0 : i32
    %dma_wait3A_121 = arith.constant 1 : i32
    %dma_wait3A_122 = arith.constant 0 : i32
    %dma_wait3A_123 = arith.constant 0 : i32
    %dma_wait3A_124 = tpu.memref_slice %arg7[%dma_wait3A_121, %dma_wait3A_122, %dma_wait3A_123] : memref<2x128x128xf32, #tpu.memory_space<vmem>> -> memref<1x128x128xf32, #tpu.memory_space<vmem>>
    %dma_wait3A_125 = tpu.memref_squeeze %dma_wait3A_124 : memref<1x128x128xf32, #tpu.memory_space<vmem>> -> memref<128x128xf32, #tpu.memory_space<vmem>>
    %dma_wait3A_126 = arith.constant 4736 : i32
    %dma_wait3A_127 = tpu.memref_slice %arg5[%dma_wait3A_120, %dma_wait3A_126] : memref<2x4992xi32, #tpu.memory_space<vmem>> -> memref<1x128xi32, #tpu.memory_space<vmem>>
    %dma_wait3A_128 = tpu.memref_squeeze %dma_wait3A_127 : memref<1x128xi32, #tpu.memory_space<vmem>> -> memref<128xi32, #tpu.memory_space<vmem>>
    %dma_wait3A_129 = arith.constant 0 : i32
    %dma_wait3A_130 = arith.constant 0 : i32
    %dma_wait3A_131 = tpu.memref_slice %arg2[%dma_wait3A_129, %dma_wait3A_130] : memref<10000x128xf32, #tpu.memory_space<hbm>> -> memref<10000x128xf32, #tpu.memory_space<hbm>>
    tpu.wait_indirect_dma semaphore(%arg10 : memref<!tpu.dma_semaphore, #tpu.memory_space<semaphore_mem>>) src(%dma_wait3A_131 : memref<10000x128xf32, #tpu.memory_space<hbm>>) dst(%dma_wait3A_125 : memref<128x128xf32, #tpu.memory_space<vmem>>)
    %dma_start3A_132 = arith.constant 1 : i32
    %dma_start3A_133 = arith.constant 1 : i32
    %dma_start3A_134 = arith.constant 0 : i32
    %dma_start3A_135 = arith.constant 0 : i32
    %dma_start3A_136 = tpu.memref_slice %arg7[%dma_start3A_132, %dma_start3A_134, %dma_start3A_135] : memref<2x128x128xf32, #tpu.memory_space<vmem>> -> memref<1x128x128xf32, #tpu.memory_space<vmem>>
    %dma_start3A_137 = tpu.memref_squeeze %dma_start3A_136 : memref<1x128x128xf32, #tpu.memory_space<vmem>> -> memref<128x128xf32, #tpu.memory_space<vmem>>
    %dma_start3A_138 = arith.constant 4736 : i32
    %dma_start3A_139 = tpu.memref_slice %arg5[%dma_start3A_133, %dma_start3A_138] : memref<2x4992xi32, #tpu.memory_space<vmem>> -> memref<1x128xi32, #tpu.memory_space<vmem>>
    %dma_start3A_140 = tpu.memref_squeeze %dma_start3A_139 : memref<1x128xi32, #tpu.memory_space<vmem>> -> memref<128xi32, #tpu.memory_space<vmem>>
    %dma_start3A_141 = arith.constant 0 : i32
    %dma_start3A_142 = arith.constant 0 : i32
    %dma_start3A_143 = tpu.memref_slice %arg8[%dma_start3A_141, %dma_start3A_142] : memref<10000x128xf32, #tpu.memory_space<vmem_shared>> -> memref<10000x128xf32, #tpu.memory_space<vmem_shared>>
    tpu.enqueue_indirect_dma source(%dma_start3A_137 : memref<128x128xf32, #tpu.memory_space<vmem>>) target(%dma_start3A_143 : memref<10000x128xf32, #tpu.memory_space<vmem_shared>>) offsets(%dma_start3A_140 : memref<128xi32, #tpu.memory_space<vmem>>) semaphore(%arg12 : memref<!tpu.dma_semaphore, #tpu.memory_space<semaphore_mem>>) {add = true}
    %dma_wait3A_144 = arith.constant 1 : i32
    %dma_wait3A_145 = arith.constant 1 : i32
    %dma_wait3A_146 = arith.constant 0 : i32
    %dma_wait3A_147 = arith.constant 0 : i32
    %dma_wait3A_148 = tpu.memref_slice %arg7[%dma_wait3A_144, %dma_wait3A_146, %dma_wait3A_147] : memref<2x128x128xf32, #tpu.memory_space<vmem>> -> memref<1x128x128xf32, #tpu.memory_space<vmem>>
    %dma_wait3A_149 = tpu.memref_squeeze %dma_wait3A_148 : memref<1x128x128xf32, #tpu.memory_space<vmem>> -> memref<128x128xf32, #tpu.memory_space<vmem>>
    %dma_wait3A_150 = arith.constant 4736 : i32
    %dma_wait3A_151 = tpu.memref_slice %arg5[%dma_wait3A_145, %dma_wait3A_150] : memref<2x4992xi32, #tpu.memory_space<vmem>> -> memref<1x128xi32, #tpu.memory_space<vmem>>
    %dma_wait3A_152 = tpu.memref_squeeze %dma_wait3A_151 : memref<1x128xi32, #tpu.memory_space<vmem>> -> memref<128xi32, #tpu.memory_space<vmem>>
    %dma_wait3A_153 = arith.constant 0 : i32
    %dma_wait3A_154 = arith.constant 0 : i32
    %dma_wait3A_155 = tpu.memref_slice %arg8[%dma_wait3A_153, %dma_wait3A_154] : memref<10000x128xf32, #tpu.memory_space<vmem_shared>> -> memref<10000x128xf32, #tpu.memory_space<vmem_shared>>
    tpu.wait_indirect_dma semaphore(%arg12 : memref<!tpu.dma_semaphore, #tpu.memory_space<semaphore_mem>>) src(%dma_wait3A_149 : memref<128x128xf32, #tpu.memory_space<vmem>>) dst(%dma_wait3A_155 : memref<10000x128xf32, #tpu.memory_space<vmem_shared>>)
    %dma_wait3A_156 = arith.constant 0 : i32
    %dma_wait3A_157 = arith.constant 0 : i32
    %dma_wait3A_158 = arith.constant 0 : i32
    %dma_wait3A_159 = arith.constant 0 : i32
    %dma_wait3A_160 = tpu.memref_slice %arg7[%dma_wait3A_157, %dma_wait3A_158, %dma_wait3A_159] : memref<2x128x128xf32, #tpu.memory_space<vmem>> -> memref<1x128x128xf32, #tpu.memory_space<vmem>>
    %dma_wait3A_161 = tpu.memref_squeeze %dma_wait3A_160 : memref<1x128x128xf32, #tpu.memory_space<vmem>> -> memref<128x128xf32, #tpu.memory_space<vmem>>
    %dma_wait3A_162 = arith.constant 4864 : i32
    %dma_wait3A_163 = tpu.memref_slice %arg5[%dma_wait3A_156, %dma_wait3A_162] : memref<2x4992xi32, #tpu.memory_space<vmem>> -> memref<1x128xi32, #tpu.memory_space<vmem>>
    %dma_wait3A_164 = tpu.memref_squeeze %dma_wait3A_163 : memref<1x128xi32, #tpu.memory_space<vmem>> -> memref<128xi32, #tpu.memory_space<vmem>>
    %dma_wait3A_165 = arith.constant 0 : i32
    %dma_wait3A_166 = arith.constant 0 : i32
    %dma_wait3A_167 = tpu.memref_slice %arg2[%dma_wait3A_165, %dma_wait3A_166] : memref<10000x128xf32, #tpu.memory_space<hbm>> -> memref<10000x128xf32, #tpu.memory_space<hbm>>
    tpu.wait_indirect_dma semaphore(%arg9 : memref<!tpu.dma_semaphore, #tpu.memory_space<semaphore_mem>>) src(%dma_wait3A_167 : memref<10000x128xf32, #tpu.memory_space<hbm>>) dst(%dma_wait3A_161 : memref<128x128xf32, #tpu.memory_space<vmem>>)
    %dma_start3A_168 = arith.constant 0 : i32
    %dma_start3A_169 = arith.constant 1 : i32
    %dma_start3A_170 = arith.constant 0 : i32
    %dma_start3A_171 = arith.constant 0 : i32
    %dma_start3A_172 = tpu.memref_slice %arg7[%dma_start3A_168, %dma_start3A_170, %dma_start3A_171] : memref<2x128x128xf32, #tpu.memory_space<vmem>> -> memref<1x128x128xf32, #tpu.memory_space<vmem>>
    %dma_start3A_173 = tpu.memref_squeeze %dma_start3A_172 : memref<1x128x128xf32, #tpu.memory_space<vmem>> -> memref<128x128xf32, #tpu.memory_space<vmem>>
    %dma_start3A_174 = arith.constant 4864 : i32
    %dma_start3A_175 = tpu.memref_slice %arg5[%dma_start3A_169, %dma_start3A_174] : memref<2x4992xi32, #tpu.memory_space<vmem>> -> memref<1x128xi32, #tpu.memory_space<vmem>>
    %dma_start3A_176 = tpu.memref_squeeze %dma_start3A_175 : memref<1x128xi32, #tpu.memory_space<vmem>> -> memref<128xi32, #tpu.memory_space<vmem>>
    %dma_start3A_177 = arith.constant 0 : i32
    %dma_start3A_178 = arith.constant 0 : i32
    %dma_start3A_179 = tpu.memref_slice %arg8[%dma_start3A_177, %dma_start3A_178] : memref<10000x128xf32, #tpu.memory_space<vmem_shared>> -> memref<10000x128xf32, #tpu.memory_space<vmem_shared>>
    tpu.enqueue_indirect_dma source(%dma_start3A_173 : memref<128x128xf32, #tpu.memory_space<vmem>>) target(%dma_start3A_179 : memref<10000x128xf32, #tpu.memory_space<vmem_shared>>) offsets(%dma_start3A_176 : memref<128xi32, #tpu.memory_space<vmem>>) semaphore(%arg11 : memref<!tpu.dma_semaphore, #tpu.memory_space<semaphore_mem>>) {add = true}
    %dma_wait3A_180 = arith.constant 0 : i32
    %dma_wait3A_181 = arith.constant 1 : i32
    %dma_wait3A_182 = arith.constant 0 : i32
    %dma_wait3A_183 = arith.constant 0 : i32
    %dma_wait3A_184 = tpu.memref_slice %arg7[%dma_wait3A_180, %dma_wait3A_182, %dma_wait3A_183] : memref<2x128x128xf32, #tpu.memory_space<vmem>> -> memref<1x128x128xf32, #tpu.memory_space<vmem>>
    %dma_wait3A_185 = tpu.memref_squeeze %dma_wait3A_184 : memref<1x128x128xf32, #tpu.memory_space<vmem>> -> memref<128x128xf32, #tpu.memory_space<vmem>>
    %dma_wait3A_186 = arith.constant 4864 : i32
    %dma_wait3A_187 = tpu.memref_slice %arg5[%dma_wait3A_181, %dma_wait3A_186] : memref<2x4992xi32, #tpu.memory_space<vmem>> -> memref<1x128xi32, #tpu.memory_space<vmem>>
    %dma_wait3A_188 = tpu.memref_squeeze %dma_wait3A_187 : memref<1x128xi32, #tpu.memory_space<vmem>> -> memref<128xi32, #tpu.memory_space<vmem>>
    %dma_wait3A_189 = arith.constant 0 : i32
    %dma_wait3A_190 = arith.constant 0 : i32
    %dma_wait3A_191 = tpu.memref_slice %arg8[%dma_wait3A_189, %dma_wait3A_190] : memref<10000x128xf32, #tpu.memory_space<vmem_shared>> -> memref<10000x128xf32, #tpu.memory_space<vmem_shared>>
    tpu.wait_indirect_dma semaphore(%arg11 : memref<!tpu.dma_semaphore, #tpu.memory_space<semaphore_mem>>) src(%dma_wait3A_185 : memref<128x128xf32, #tpu.memory_space<vmem>>) dst(%dma_wait3A_191 : memref<10000x128xf32, #tpu.memory_space<vmem_shared>>)
    %mul3A_192 = arith.constant 78 : i32
    %mul3A_193 = arith.muli %add3A, %mul3A_192 : i32
    %add3A_194 = arith.constant 39 : i32
    %add3A_195 = arith.addi %mul3A_193, %add3A_194 : i32
    %mul3A_196 = arith.constant 128 : i32
    %mul3A_197 = arith.muli %add3A_195, %mul3A_196 : i32
    "tpu.region"() ({
      %run_scoped3A_357 = tpu.sem_alloc : memref<!tpu.dma_semaphore, #tpu.memory_space<semaphore_mem>>
      %dma_start3A_358 = arith.constant 0 : i32
      %dma_start3A_359 = tpu.memref_slice %arg3[%dma_start3A_358, %mul3A_197] : memref<2x320000xi32, #tpu.memory_space<hbm>> -> memref<2x4992xi32, #tpu.memory_space<hbm>>
      %dma_start3A_360 = arith.constant 0 : i32
      %dma_start3A_361 = tpu.memref_slice %arg3[%dma_start3A_360, %mul3A_197] : memref<2x320000xi32, #tpu.memory_space<hbm>> -> memref<2x4992xi32, #tpu.memory_space<hbm>>
      tpu.enqueue_dma source(%dma_start3A_361 : memref<2x4992xi32, #tpu.memory_space<hbm>>) target(%arg5 : memref<2x4992xi32, #tpu.memory_space<vmem>>) target_semaphore(%run_scoped3A_357 : memref<!tpu.dma_semaphore, #tpu.memory_space<semaphore_mem>>)
      %dma_wait3A_362 = arith.constant 0 : i32
      %dma_wait3A_363 = tpu.memref_slice %arg3[%dma_wait3A_362, %mul3A_197] : memref<2x320000xi32, #tpu.memory_space<hbm>> -> memref<2x4992xi32, #tpu.memory_space<hbm>>
      %dma_wait3A_364 = arith.constant 0 : i32
      %dma_wait3A_365 = tpu.memref_slice %arg3[%dma_wait3A_364, %mul3A_197] : memref<2x320000xi32, #tpu.memory_space<hbm>> -> memref<2x4992xi32, #tpu.memory_space<hbm>>
      tpu.wait_dma2 semaphore(%run_scoped3A_357 : memref<!tpu.dma_semaphore, #tpu.memory_space<semaphore_mem>>) src(%dma_wait3A_365 : memref<2x4992xi32, #tpu.memory_space<hbm>>) dst(%arg5 : memref<2x4992xi32, #tpu.memory_space<vmem>>)
      tpu.yield
    }) : () -> ()
    %dma_start3A_198 = arith.constant 0 : i32
    %dma_start3A_199 = arith.constant 0 : i32
    %dma_start3A_200 = arith.constant 0 : i32
    %dma_start3A_201 = arith.constant 0 : i32
    %dma_start3A_202 = tpu.memref_slice %arg7[%dma_start3A_199, %dma_start3A_200, %dma_start3A_201] : memref<2x128x128xf32, #tpu.memory_space<vmem>> -> memref<1x128x128xf32, #tpu.memory_space<vmem>>
    %dma_start3A_203 = tpu.memref_squeeze %dma_start3A_202 : memref<1x128x128xf32, #tpu.memory_space<vmem>> -> memref<128x128xf32, #tpu.memory_space<vmem>>
    %dma_start3A_204 = arith.constant 0 : i32
    %dma_start3A_205 = tpu.memref_slice %arg5[%dma_start3A_198, %dma_start3A_204] : memref<2x4992xi32, #tpu.memory_space<vmem>> -> memref<1x128xi32, #tpu.memory_space<vmem>>
    %dma_start3A_206 = tpu.memref_squeeze %dma_start3A_205 : memref<1x128xi32, #tpu.memory_space<vmem>> -> memref<128xi32, #tpu.memory_space<vmem>>
    %dma_start3A_207 = arith.constant 0 : i32
    %dma_start3A_208 = arith.constant 0 : i32
    %dma_start3A_209 = tpu.memref_slice %arg2[%dma_start3A_207, %dma_start3A_208] : memref<10000x128xf32, #tpu.memory_space<hbm>> -> memref<10000x128xf32, #tpu.memory_space<hbm>>
    tpu.enqueue_indirect_dma source(%dma_start3A_209 : memref<10000x128xf32, #tpu.memory_space<hbm>>) target(%dma_start3A_203 : memref<128x128xf32, #tpu.memory_space<vmem>>) offsets(%dma_start3A_206 : memref<128xi32, #tpu.memory_space<vmem>>) semaphore(%arg9 : memref<!tpu.dma_semaphore, #tpu.memory_space<semaphore_mem>>)
    %dma_start3A_210 = arith.constant 0 : i32
    %dma_start3A_211 = arith.constant 1 : i32
    %dma_start3A_212 = arith.constant 0 : i32
    %dma_start3A_213 = arith.constant 0 : i32
    %dma_start3A_214 = tpu.memref_slice %arg7[%dma_start3A_211, %dma_start3A_212, %dma_start3A_213] : memref<2x128x128xf32, #tpu.memory_space<vmem>> -> memref<1x128x128xf32, #tpu.memory_space<vmem>>
    %dma_start3A_215 = tpu.memref_squeeze %dma_start3A_214 : memref<1x128x128xf32, #tpu.memory_space<vmem>> -> memref<128x128xf32, #tpu.memory_space<vmem>>
    %dma_start3A_216 = arith.constant 128 : i32
    %dma_start3A_217 = tpu.memref_slice %arg5[%dma_start3A_210, %dma_start3A_216] : memref<2x4992xi32, #tpu.memory_space<vmem>> -> memref<1x128xi32, #tpu.memory_space<vmem>>
    %dma_start3A_218 = tpu.memref_squeeze %dma_start3A_217 : memref<1x128xi32, #tpu.memory_space<vmem>> -> memref<128xi32, #tpu.memory_space<vmem>>
    %dma_start3A_219 = arith.constant 0 : i32
    %dma_start3A_220 = arith.constant 0 : i32
    %dma_start3A_221 = tpu.memref_slice %arg2[%dma_start3A_219, %dma_start3A_220] : memref<10000x128xf32, #tpu.memory_space<hbm>> -> memref<10000x128xf32, #tpu.memory_space<hbm>>
    tpu.enqueue_indirect_dma source(%dma_start3A_221 : memref<10000x128xf32, #tpu.memory_space<hbm>>) target(%dma_start3A_215 : memref<128x128xf32, #tpu.memory_space<vmem>>) offsets(%dma_start3A_218 : memref<128xi32, #tpu.memory_space<vmem>>) semaphore(%arg10 : memref<!tpu.dma_semaphore, #tpu.memory_space<semaphore_mem>>)
    %scan3A_222 = arith.constant 0 : i32
    %scan3A_223 = arith.constant 18 : i32
    %scan3A_224 = arith.addi %scan3A_222, %scan3A_223 : i32
    %scan3A_225 = arith.constant 1 : i32
    scf.for %scan3A_357 = %scan3A_222 to %scan3A_224 step %scan3A_225  : i32 {
      %mul3A_358 = arith.constant 2 : i32
      %mul3A_359 = arith.muli %scan3A_357, %mul3A_358 : i32
      %add3A_360 = arith.constant 0 : i32
      %add3A_361 = arith.addi %add3A_360, %mul3A_359 : i32
      %add3A_362 = arith.constant 0 : i32
      %add3A_363 = arith.addi %add3A_361, %add3A_362 : i32
      %mul3A_364 = arith.constant 128 : i32
      %mul3A_365 = arith.muli %add3A_363, %mul3A_364 : i32
      %dma_wait3A_366 = arith.constant 0 : i32
      %dma_wait3A_367 = arith.constant 0 : i32
      %dma_wait3A_368 = arith.constant 0 : i32
      %dma_wait3A_369 = arith.constant 0 : i32
      %dma_wait3A_370 = tpu.memref_slice %arg7[%dma_wait3A_367, %dma_wait3A_368, %dma_wait3A_369] : memref<2x128x128xf32, #tpu.memory_space<vmem>> -> memref<1x128x128xf32, #tpu.memory_space<vmem>>
      %dma_wait3A_371 = tpu.memref_squeeze %dma_wait3A_370 : memref<1x128x128xf32, #tpu.memory_space<vmem>> -> memref<128x128xf32, #tpu.memory_space<vmem>>
      %dma_wait3A_372 = tpu.memref_slice %arg5[%dma_wait3A_366, %mul3A_365] : memref<2x4992xi32, #tpu.memory_space<vmem>> -> memref<1x128xi32, #tpu.memory_space<vmem>>
      %dma_wait3A_373 = tpu.memref_squeeze %dma_wait3A_372 : memref<1x128xi32, #tpu.memory_space<vmem>> -> memref<128xi32, #tpu.memory_space<vmem>>
      %dma_wait3A_374 = arith.constant 0 : i32
      %dma_wait3A_375 = arith.constant 0 : i32
      %dma_wait3A_376 = tpu.memref_slice %arg2[%dma_wait3A_374, %dma_wait3A_375] : memref<10000x128xf32, #tpu.memory_space<hbm>> -> memref<10000x128xf32, #tpu.memory_space<hbm>>
      tpu.wait_indirect_dma semaphore(%arg9 : memref<!tpu.dma_semaphore, #tpu.memory_space<semaphore_mem>>) src(%dma_wait3A_376 : memref<10000x128xf32, #tpu.memory_space<hbm>>) dst(%dma_wait3A_371 : memref<128x128xf32, #tpu.memory_space<vmem>>)
      %mul3A_377 = arith.constant 128 : i32
      %mul3A_378 = arith.muli %add3A_363, %mul3A_377 : i32
      %dma_start3A_379 = arith.constant 0 : i32
      %dma_start3A_380 = arith.constant 1 : i32
      %dma_start3A_381 = arith.constant 0 : i32
      %dma_start3A_382 = arith.constant 0 : i32
      %dma_start3A_383 = tpu.memref_slice %arg7[%dma_start3A_379, %dma_start3A_381, %dma_start3A_382] : memref<2x128x128xf32, #tpu.memory_space<vmem>> -> memref<1x128x128xf32, #tpu.memory_space<vmem>>
      %dma_start3A_384 = tpu.memref_squeeze %dma_start3A_383 : memref<1x128x128xf32, #tpu.memory_space<vmem>> -> memref<128x128xf32, #tpu.memory_space<vmem>>
      %dma_start3A_385 = tpu.memref_slice %arg5[%dma_start3A_380, %mul3A_378] : memref<2x4992xi32, #tpu.memory_space<vmem>> -> memref<1x128xi32, #tpu.memory_space<vmem>>
      %dma_start3A_386 = tpu.memref_squeeze %dma_start3A_385 : memref<1x128xi32, #tpu.memory_space<vmem>> -> memref<128xi32, #tpu.memory_space<vmem>>
      %dma_start3A_387 = arith.constant 0 : i32
      %dma_start3A_388 = arith.constant 0 : i32
      %dma_start3A_389 = tpu.memref_slice %arg8[%dma_start3A_387, %dma_start3A_388] : memref<10000x128xf32, #tpu.memory_space<vmem_shared>> -> memref<10000x128xf32, #tpu.memory_space<vmem_shared>>
      tpu.enqueue_indirect_dma source(%dma_start3A_384 : memref<128x128xf32, #tpu.memory_space<vmem>>) target(%dma_start3A_389 : memref<10000x128xf32, #tpu.memory_space<vmem_shared>>) offsets(%dma_start3A_386 : memref<128xi32, #tpu.memory_space<vmem>>) semaphore(%arg11 : memref<!tpu.dma_semaphore, #tpu.memory_space<semaphore_mem>>) {add = true}
      %mul3A_390 = arith.constant 128 : i32
      %mul3A_391 = arith.muli %add3A_363, %mul3A_390 : i32
      %dma_wait3A_392 = arith.constant 0 : i32
      %dma_wait3A_393 = arith.constant 1 : i32
      %dma_wait3A_394 = arith.constant 0 : i32
      %dma_wait3A_395 = arith.constant 0 : i32
      %dma_wait3A_396 = tpu.memref_slice %arg7[%dma_wait3A_392, %dma_wait3A_394, %dma_wait3A_395] : memref<2x128x128xf32, #tpu.memory_space<vmem>> -> memref<1x128x128xf32, #tpu.memory_space<vmem>>
      %dma_wait3A_397 = tpu.memref_squeeze %dma_wait3A_396 : memref<1x128x128xf32, #tpu.memory_space<vmem>> -> memref<128x128xf32, #tpu.memory_space<vmem>>
      %dma_wait3A_398 = tpu.memref_slice %arg5[%dma_wait3A_393, %mul3A_391] : memref<2x4992xi32, #tpu.memory_space<vmem>> -> memref<1x128xi32, #tpu.memory_space<vmem>>
      %dma_wait3A_399 = tpu.memref_squeeze %dma_wait3A_398 : memref<1x128xi32, #tpu.memory_space<vmem>> -> memref<128xi32, #tpu.memory_space<vmem>>
      %dma_wait3A_400 = arith.constant 0 : i32
      %dma_wait3A_401 = arith.constant 0 : i32
      %dma_wait3A_402 = tpu.memref_slice %arg8[%dma_wait3A_400, %dma_wait3A_401] : memref<10000x128xf32, #tpu.memory_space<vmem_shared>> -> memref<10000x128xf32, #tpu.memory_space<vmem_shared>>
      tpu.wait_indirect_dma semaphore(%arg11 : memref<!tpu.dma_semaphore, #tpu.memory_space<semaphore_mem>>) src(%dma_wait3A_397 : memref<128x128xf32, #tpu.memory_space<vmem>>) dst(%dma_wait3A_402 : memref<10000x128xf32, #tpu.memory_space<vmem_shared>>)
      %add3A_403 = arith.constant 2 : i32
      %add3A_404 = arith.addi %add3A_363, %add3A_403 : i32
      %mul3A_405 = arith.constant 128 : i32
      %mul3A_406 = arith.muli %add3A_404, %mul3A_405 : i32
      %dma_start3A_407 = arith.constant 0 : i32
      %dma_start3A_408 = arith.constant 0 : i32
      %dma_start3A_409 = arith.constant 0 : i32
      %dma_start3A_410 = arith.constant 0 : i32
      %dma_start3A_411 = tpu.memref_slice %arg7[%dma_start3A_408, %dma_start3A_409, %dma_start3A_410] : memref<2x128x128xf32, #tpu.memory_space<vmem>> -> memref<1x128x128xf32, #tpu.memory_space<vmem>>
      %dma_start3A_412 = tpu.memref_squeeze %dma_start3A_411 : memref<1x128x128xf32, #tpu.memory_space<vmem>> -> memref<128x128xf32, #tpu.memory_space<vmem>>
      %dma_start3A_413 = tpu.memref_slice %arg5[%dma_start3A_407, %mul3A_406] : memref<2x4992xi32, #tpu.memory_space<vmem>> -> memref<1x128xi32, #tpu.memory_space<vmem>>
      %dma_start3A_414 = tpu.memref_squeeze %dma_start3A_413 : memref<1x128xi32, #tpu.memory_space<vmem>> -> memref<128xi32, #tpu.memory_space<vmem>>
      %dma_start3A_415 = arith.constant 0 : i32
      %dma_start3A_416 = arith.constant 0 : i32
      %dma_start3A_417 = tpu.memref_slice %arg2[%dma_start3A_415, %dma_start3A_416] : memref<10000x128xf32, #tpu.memory_space<hbm>> -> memref<10000x128xf32, #tpu.memory_space<hbm>>
      tpu.enqueue_indirect_dma source(%dma_start3A_417 : memref<10000x128xf32, #tpu.memory_space<hbm>>) target(%dma_start3A_412 : memref<128x128xf32, #tpu.memory_space<vmem>>) offsets(%dma_start3A_414 : memref<128xi32, #tpu.memory_space<vmem>>) semaphore(%arg9 : memref<!tpu.dma_semaphore, #tpu.memory_space<semaphore_mem>>)
      %add3A_418 = arith.constant 1 : i32
      %add3A_419 = arith.addi %add3A_361, %add3A_418 : i32
      %mul3A_420 = arith.constant 128 : i32
      %mul3A_421 = arith.muli %add3A_419, %mul3A_420 : i32
      %dma_wait3A_422 = arith.constant 0 : i32
      %dma_wait3A_423 = arith.constant 1 : i32
      %dma_wait3A_424 = arith.constant 0 : i32
      %dma_wait3A_425 = arith.constant 0 : i32
      %dma_wait3A_426 = tpu.memref_slice %arg7[%dma_wait3A_423, %dma_wait3A_424, %dma_wait3A_425] : memref<2x128x128xf32, #tpu.memory_space<vmem>> -> memref<1x128x128xf32, #tpu.memory_space<vmem>>
      %dma_wait3A_427 = tpu.memref_squeeze %dma_wait3A_426 : memref<1x128x128xf32, #tpu.memory_space<vmem>> -> memref<128x128xf32, #tpu.memory_space<vmem>>
      %dma_wait3A_428 = tpu.memref_slice %arg5[%dma_wait3A_422, %mul3A_421] : memref<2x4992xi32, #tpu.memory_space<vmem>> -> memref<1x128xi32, #tpu.memory_space<vmem>>
      %dma_wait3A_429 = tpu.memref_squeeze %dma_wait3A_428 : memref<1x128xi32, #tpu.memory_space<vmem>> -> memref<128xi32, #tpu.memory_space<vmem>>
      %dma_wait3A_430 = arith.constant 0 : i32
      %dma_wait3A_431 = arith.constant 0 : i32
      %dma_wait3A_432 = tpu.memref_slice %arg2[%dma_wait3A_430, %dma_wait3A_431] : memref<10000x128xf32, #tpu.memory_space<hbm>> -> memref<10000x128xf32, #tpu.memory_space<hbm>>
      tpu.wait_indirect_dma semaphore(%arg10 : memref<!tpu.dma_semaphore, #tpu.memory_space<semaphore_mem>>) src(%dma_wait3A_432 : memref<10000x128xf32, #tpu.memory_space<hbm>>) dst(%dma_wait3A_427 : memref<128x128xf32, #tpu.memory_space<vmem>>)
      %mul3A_433 = arith.constant 128 : i32
      %mul3A_434 = arith.muli %add3A_419, %mul3A_433 : i32
      %dma_start3A_435 = arith.constant 1 : i32
      %dma_start3A_436 = arith.constant 1 : i32
      %dma_start3A_437 = arith.constant 0 : i32
      %dma_start3A_438 = arith.constant 0 : i32
      %dma_start3A_439 = tpu.memref_slice %arg7[%dma_start3A_435, %dma_start3A_437, %dma_start3A_438] : memref<2x128x128xf32, #tpu.memory_space<vmem>> -> memref<1x128x128xf32, #tpu.memory_space<vmem>>
      %dma_start3A_440 = tpu.memref_squeeze %dma_start3A_439 : memref<1x128x128xf32, #tpu.memory_space<vmem>> -> memref<128x128xf32, #tpu.memory_space<vmem>>
      %dma_start3A_441 = tpu.memref_slice %arg5[%dma_start3A_436, %mul3A_434] : memref<2x4992xi32, #tpu.memory_space<vmem>> -> memref<1x128xi32, #tpu.memory_space<vmem>>
      %dma_start3A_442 = tpu.memref_squeeze %dma_start3A_441 : memref<1x128xi32, #tpu.memory_space<vmem>> -> memref<128xi32, #tpu.memory_space<vmem>>
      %dma_start3A_443 = arith.constant 0 : i32
      %dma_start3A_444 = arith.constant 0 : i32
      %dma_start3A_445 = tpu.memref_slice %arg8[%dma_start3A_443, %dma_start3A_444] : memref<10000x128xf32, #tpu.memory_space<vmem_shared>> -> memref<10000x128xf32, #tpu.memory_space<vmem_shared>>
      tpu.enqueue_indirect_dma source(%dma_start3A_440 : memref<128x128xf32, #tpu.memory_space<vmem>>) target(%dma_start3A_445 : memref<10000x128xf32, #tpu.memory_space<vmem_shared>>) offsets(%dma_start3A_442 : memref<128xi32, #tpu.memory_space<vmem>>) semaphore(%arg12 : memref<!tpu.dma_semaphore, #tpu.memory_space<semaphore_mem>>) {add = true}
      %mul3A_446 = arith.constant 128 : i32
      %mul3A_447 = arith.muli %add3A_419, %mul3A_446 : i32
      %dma_wait3A_448 = arith.constant 1 : i32
      %dma_wait3A_449 = arith.constant 1 : i32
      %dma_wait3A_450 = arith.constant 0 : i32
      %dma_wait3A_451 = arith.constant 0 : i32
      %dma_wait3A_452 = tpu.memref_slice %arg7[%dma_wait3A_448, %dma_wait3A_450, %dma_wait3A_451] : memref<2x128x128xf32, #tpu.memory_space<vmem>> -> memref<1x128x128xf32, #tpu.memory_space<vmem>>
      %dma_wait3A_453 = tpu.memref_squeeze %dma_wait3A_452 : memref<1x128x128xf32, #tpu.memory_space<vmem>> -> memref<128x128xf32, #tpu.memory_space<vmem>>
      %dma_wait3A_454 = tpu.memref_slice %arg5[%dma_wait3A_449, %mul3A_447] : memref<2x4992xi32, #tpu.memory_space<vmem>> -> memref<1x128xi32, #tpu.memory_space<vmem>>
      %dma_wait3A_455 = tpu.memref_squeeze %dma_wait3A_454 : memref<1x128xi32, #tpu.memory_space<vmem>> -> memref<128xi32, #tpu.memory_space<vmem>>
      %dma_wait3A_456 = arith.constant 0 : i32
      %dma_wait3A_457 = arith.constant 0 : i32
      %dma_wait3A_458 = tpu.memref_slice %arg8[%dma_wait3A_456, %dma_wait3A_457] : memref<10000x128xf32, #tpu.memory_space<vmem_shared>> -> memref<10000x128xf32, #tpu.memory_space<vmem_shared>>
      tpu.wait_indirect_dma semaphore(%arg12 : memref<!tpu.dma_semaphore, #tpu.memory_space<semaphore_mem>>) src(%dma_wait3A_453 : memref<128x128xf32, #tpu.memory_space<vmem>>) dst(%dma_wait3A_458 : memref<10000x128xf32, #tpu.memory_space<vmem_shared>>)
      %add3A_459 = arith.constant 2 : i32
      %add3A_460 = arith.addi %add3A_419, %add3A_459 : i32
      %mul3A_461 = arith.constant 128 : i32
      %mul3A_462 = arith.muli %add3A_460, %mul3A_461 : i32
      %dma_start3A_463 = arith.constant 0 : i32
      %dma_start3A_464 = arith.constant 1 : i32
      %dma_start3A_465 = arith.constant 0 : i32
      %dma_start3A_466 = arith.constant 0 : i32
      %dma_start3A_467 = tpu.memref_slice %arg7[%dma_start3A_464, %dma_start3A_465, %dma_start3A_466] : memref<2x128x128xf32, #tpu.memory_space<vmem>> -> memref<1x128x128xf32, #tpu.memory_space<vmem>>
      %dma_start3A_468 = tpu.memref_squeeze %dma_start3A_467 : memref<1x128x128xf32, #tpu.memory_space<vmem>> -> memref<128x128xf32, #tpu.memory_space<vmem>>
      %dma_start3A_469 = tpu.memref_slice %arg5[%dma_start3A_463, %mul3A_462] : memref<2x4992xi32, #tpu.memory_space<vmem>> -> memref<1x128xi32, #tpu.memory_space<vmem>>
      %dma_start3A_470 = tpu.memref_squeeze %dma_start3A_469 : memref<1x128xi32, #tpu.memory_space<vmem>> -> memref<128xi32, #tpu.memory_space<vmem>>
      %dma_start3A_471 = arith.constant 0 : i32
      %dma_start3A_472 = arith.constant 0 : i32
      %dma_start3A_473 = tpu.memref_slice %arg2[%dma_start3A_471, %dma_start3A_472] : memref<10000x128xf32, #tpu.memory_space<hbm>> -> memref<10000x128xf32, #tpu.memory_space<hbm>>
      tpu.enqueue_indirect_dma source(%dma_start3A_473 : memref<10000x128xf32, #tpu.memory_space<hbm>>) target(%dma_start3A_468 : memref<128x128xf32, #tpu.memory_space<vmem>>) offsets(%dma_start3A_470 : memref<128xi32, #tpu.memory_space<vmem>>) semaphore(%arg10 : memref<!tpu.dma_semaphore, #tpu.memory_space<semaphore_mem>>)
    }
    %scan3A_226 = arith.constant 18 : i32
    %dma_wait3A_227 = arith.constant 0 : i32
    %dma_wait3A_228 = arith.constant 0 : i32
    %dma_wait3A_229 = arith.constant 0 : i32
    %dma_wait3A_230 = arith.constant 0 : i32
    %dma_wait3A_231 = tpu.memref_slice %arg7[%dma_wait3A_228, %dma_wait3A_229, %dma_wait3A_230] : memref<2x128x128xf32, #tpu.memory_space<vmem>> -> memref<1x128x128xf32, #tpu.memory_space<vmem>>
    %dma_wait3A_232 = tpu.memref_squeeze %dma_wait3A_231 : memref<1x128x128xf32, #tpu.memory_space<vmem>> -> memref<128x128xf32, #tpu.memory_space<vmem>>
    %dma_wait3A_233 = arith.constant 4608 : i32
    %dma_wait3A_234 = tpu.memref_slice %arg5[%dma_wait3A_227, %dma_wait3A_233] : memref<2x4992xi32, #tpu.memory_space<vmem>> -> memref<1x128xi32, #tpu.memory_space<vmem>>
    %dma_wait3A_235 = tpu.memref_squeeze %dma_wait3A_234 : memref<1x128xi32, #tpu.memory_space<vmem>> -> memref<128xi32, #tpu.memory_space<vmem>>
    %dma_wait3A_236 = arith.constant 0 : i32
    %dma_wait3A_237 = arith.constant 0 : i32
    %dma_wait3A_238 = tpu.memref_slice %arg2[%dma_wait3A_236, %dma_wait3A_237] : memref<10000x128xf32, #tpu.memory_space<hbm>> -> memref<10000x128xf32, #tpu.memory_space<hbm>>
    tpu.wait_indirect_dma semaphore(%arg9 : memref<!tpu.dma_semaphore, #tpu.memory_space<semaphore_mem>>) src(%dma_wait3A_238 : memref<10000x128xf32, #tpu.memory_space<hbm>>) dst(%dma_wait3A_232 : memref<128x128xf32, #tpu.memory_space<vmem>>)
    %dma_start3A_239 = arith.constant 0 : i32
    %dma_start3A_240 = arith.constant 1 : i32
    %dma_start3A_241 = arith.constant 0 : i32
    %dma_start3A_242 = arith.constant 0 : i32
    %dma_start3A_243 = tpu.memref_slice %arg7[%dma_start3A_239, %dma_start3A_241, %dma_start3A_242] : memref<2x128x128xf32, #tpu.memory_space<vmem>> -> memref<1x128x128xf32, #tpu.memory_space<vmem>>
    %dma_start3A_244 = tpu.memref_squeeze %dma_start3A_243 : memref<1x128x128xf32, #tpu.memory_space<vmem>> -> memref<128x128xf32, #tpu.memory_space<vmem>>
    %dma_start3A_245 = arith.constant 4608 : i32
    %dma_start3A_246 = tpu.memref_slice %arg5[%dma_start3A_240, %dma_start3A_245] : memref<2x4992xi32, #tpu.memory_space<vmem>> -> memref<1x128xi32, #tpu.memory_space<vmem>>
    %dma_start3A_247 = tpu.memref_squeeze %dma_start3A_246 : memref<1x128xi32, #tpu.memory_space<vmem>> -> memref<128xi32, #tpu.memory_space<vmem>>
    %dma_start3A_248 = arith.constant 0 : i32
    %dma_start3A_249 = arith.constant 0 : i32
    %dma_start3A_250 = tpu.memref_slice %arg8[%dma_start3A_248, %dma_start3A_249] : memref<10000x128xf32, #tpu.memory_space<vmem_shared>> -> memref<10000x128xf32, #tpu.memory_space<vmem_shared>>
    tpu.enqueue_indirect_dma source(%dma_start3A_244 : memref<128x128xf32, #tpu.memory_space<vmem>>) target(%dma_start3A_250 : memref<10000x128xf32, #tpu.memory_space<vmem_shared>>) offsets(%dma_start3A_247 : memref<128xi32, #tpu.memory_space<vmem>>) semaphore(%arg11 : memref<!tpu.dma_semaphore, #tpu.memory_space<semaphore_mem>>) {add = true}
    %dma_wait3A_251 = arith.constant 0 : i32
    %dma_wait3A_252 = arith.constant 1 : i32
    %dma_wait3A_253 = arith.constant 0 : i32
    %dma_wait3A_254 = arith.constant 0 : i32
    %dma_wait3A_255 = tpu.memref_slice %arg7[%dma_wait3A_251, %dma_wait3A_253, %dma_wait3A_254] : memref<2x128x128xf32, #tpu.memory_space<vmem>> -> memref<1x128x128xf32, #tpu.memory_space<vmem>>
    %dma_wait3A_256 = tpu.memref_squeeze %dma_wait3A_255 : memref<1x128x128xf32, #tpu.memory_space<vmem>> -> memref<128x128xf32, #tpu.memory_space<vmem>>
    %dma_wait3A_257 = arith.constant 4608 : i32
    %dma_wait3A_258 = tpu.memref_slice %arg5[%dma_wait3A_252, %dma_wait3A_257] : memref<2x4992xi32, #tpu.memory_space<vmem>> -> memref<1x128xi32, #tpu.memory_space<vmem>>
    %dma_wait3A_259 = tpu.memref_squeeze %dma_wait3A_258 : memref<1x128xi32, #tpu.memory_space<vmem>> -> memref<128xi32, #tpu.memory_space<vmem>>
    %dma_wait3A_260 = arith.constant 0 : i32
    %dma_wait3A_261 = arith.constant 0 : i32
    %dma_wait3A_262 = tpu.memref_slice %arg8[%dma_wait3A_260, %dma_wait3A_261] : memref<10000x128xf32, #tpu.memory_space<vmem_shared>> -> memref<10000x128xf32, #tpu.memory_space<vmem_shared>>
    tpu.wait_indirect_dma semaphore(%arg11 : memref<!tpu.dma_semaphore, #tpu.memory_space<semaphore_mem>>) src(%dma_wait3A_256 : memref<128x128xf32, #tpu.memory_space<vmem>>) dst(%dma_wait3A_262 : memref<10000x128xf32, #tpu.memory_space<vmem_shared>>)
    %dma_start3A_263 = arith.constant 0 : i32
    %dma_start3A_264 = arith.constant 0 : i32
    %dma_start3A_265 = arith.constant 0 : i32
    %dma_start3A_266 = arith.constant 0 : i32
    %dma_start3A_267 = tpu.memref_slice %arg7[%dma_start3A_264, %dma_start3A_265, %dma_start3A_266] : memref<2x128x128xf32, #tpu.memory_space<vmem>> -> memref<1x128x128xf32, #tpu.memory_space<vmem>>
    %dma_start3A_268 = tpu.memref_squeeze %dma_start3A_267 : memref<1x128x128xf32, #tpu.memory_space<vmem>> -> memref<128x128xf32, #tpu.memory_space<vmem>>
    %dma_start3A_269 = arith.constant 4864 : i32
    %dma_start3A_270 = tpu.memref_slice %arg5[%dma_start3A_263, %dma_start3A_269] : memref<2x4992xi32, #tpu.memory_space<vmem>> -> memref<1x128xi32, #tpu.memory_space<vmem>>
    %dma_start3A_271 = tpu.memref_squeeze %dma_start3A_270 : memref<1x128xi32, #tpu.memory_space<vmem>> -> memref<128xi32, #tpu.memory_space<vmem>>
    %dma_start3A_272 = arith.constant 0 : i32
    %dma_start3A_273 = arith.constant 0 : i32
    %dma_start3A_274 = tpu.memref_slice %arg2[%dma_start3A_272, %dma_start3A_273] : memref<10000x128xf32, #tpu.memory_space<hbm>> -> memref<10000x128xf32, #tpu.memory_space<hbm>>
    tpu.enqueue_indirect_dma source(%dma_start3A_274 : memref<10000x128xf32, #tpu.memory_space<hbm>>) target(%dma_start3A_268 : memref<128x128xf32, #tpu.memory_space<vmem>>) offsets(%dma_start3A_271 : memref<128xi32, #tpu.memory_space<vmem>>) semaphore(%arg9 : memref<!tpu.dma_semaphore, #tpu.memory_space<semaphore_mem>>)
    %dma_wait3A_275 = arith.constant 0 : i32
    %dma_wait3A_276 = arith.constant 1 : i32
    %dma_wait3A_277 = arith.constant 0 : i32
    %dma_wait3A_278 = arith.constant 0 : i32
    %dma_wait3A_279 = tpu.memref_slice %arg7[%dma_wait3A_276, %dma_wait3A_277, %dma_wait3A_278] : memref<2x128x128xf32, #tpu.memory_space<vmem>> -> memref<1x128x128xf32, #tpu.memory_space<vmem>>
    %dma_wait3A_280 = tpu.memref_squeeze %dma_wait3A_279 : memref<1x128x128xf32, #tpu.memory_space<vmem>> -> memref<128x128xf32, #tpu.memory_space<vmem>>
    %dma_wait3A_281 = arith.constant 4736 : i32
    %dma_wait3A_282 = tpu.memref_slice %arg5[%dma_wait3A_275, %dma_wait3A_281] : memref<2x4992xi32, #tpu.memory_space<vmem>> -> memref<1x128xi32, #tpu.memory_space<vmem>>
    %dma_wait3A_283 = tpu.memref_squeeze %dma_wait3A_282 : memref<1x128xi32, #tpu.memory_space<vmem>> -> memref<128xi32, #tpu.memory_space<vmem>>
    %dma_wait3A_284 = arith.constant 0 : i32
    %dma_wait3A_285 = arith.constant 0 : i32
    %dma_wait3A_286 = tpu.memref_slice %arg2[%dma_wait3A_284, %dma_wait3A_285] : memref<10000x128xf32, #tpu.memory_space<hbm>> -> memref<10000x128xf32, #tpu.memory_space<hbm>>
    tpu.wait_indirect_dma semaphore(%arg10 : memref<!tpu.dma_semaphore, #tpu.memory_space<semaphore_mem>>) src(%dma_wait3A_286 : memref<10000x128xf32, #tpu.memory_space<hbm>>) dst(%dma_wait3A_280 : memref<128x128xf32, #tpu.memory_space<vmem>>)
    %dma_start3A_287 = arith.constant 1 : i32
    %dma_start3A_288 = arith.constant 1 : i32
    %dma_start3A_289 = arith.constant 0 : i32
    %dma_start3A_290 = arith.constant 0 : i32
    %dma_start3A_291 = tpu.memref_slice %arg7[%dma_start3A_287, %dma_start3A_289, %dma_start3A_290] : memref<2x128x128xf32, #tpu.memory_space<vmem>> -> memref<1x128x128xf32, #tpu.memory_space<vmem>>
    %dma_start3A_292 = tpu.memref_squeeze %dma_start3A_291 : memref<1x128x128xf32, #tpu.memory_space<vmem>> -> memref<128x128xf32, #tpu.memory_space<vmem>>
    %dma_start3A_293 = arith.constant 4736 : i32
    %dma_start3A_294 = tpu.memref_slice %arg5[%dma_start3A_288, %dma_start3A_293] : memref<2x4992xi32, #tpu.memory_space<vmem>> -> memref<1x128xi32, #tpu.memory_space<vmem>>
    %dma_start3A_295 = tpu.memref_squeeze %dma_start3A_294 : memref<1x128xi32, #tpu.memory_space<vmem>> -> memref<128xi32, #tpu.memory_space<vmem>>
    %dma_start3A_296 = arith.constant 0 : i32
    %dma_start3A_297 = arith.constant 0 : i32
    %dma_start3A_298 = tpu.memref_slice %arg8[%dma_start3A_296, %dma_start3A_297] : memref<10000x128xf32, #tpu.memory_space<vmem_shared>> -> memref<10000x128xf32, #tpu.memory_space<vmem_shared>>
    tpu.enqueue_indirect_dma source(%dma_start3A_292 : memref<128x128xf32, #tpu.memory_space<vmem>>) target(%dma_start3A_298 : memref<10000x128xf32, #tpu.memory_space<vmem_shared>>) offsets(%dma_start3A_295 : memref<128xi32, #tpu.memory_space<vmem>>) semaphore(%arg12 : memref<!tpu.dma_semaphore, #tpu.memory_space<semaphore_mem>>) {add = true}
    %dma_wait3A_299 = arith.constant 1 : i32
    %dma_wait3A_300 = arith.constant 1 : i32
    %dma_wait3A_301 = arith.constant 0 : i32
    %dma_wait3A_302 = arith.constant 0 : i32
    %dma_wait3A_303 = tpu.memref_slice %arg7[%dma_wait3A_299, %dma_wait3A_301, %dma_wait3A_302] : memref<2x128x128xf32, #tpu.memory_space<vmem>> -> memref<1x128x128xf32, #tpu.memory_space<vmem>>
    %dma_wait3A_304 = tpu.memref_squeeze %dma_wait3A_303 : memref<1x128x128xf32, #tpu.memory_space<vmem>> -> memref<128x128xf32, #tpu.memory_space<vmem>>
    %dma_wait3A_305 = arith.constant 4736 : i32
    %dma_wait3A_306 = tpu.memref_slice %arg5[%dma_wait3A_300, %dma_wait3A_305] : memref<2x4992xi32, #tpu.memory_space<vmem>> -> memref<1x128xi32, #tpu.memory_space<vmem>>
    %dma_wait3A_307 = tpu.memref_squeeze %dma_wait3A_306 : memref<1x128xi32, #tpu.memory_space<vmem>> -> memref<128xi32, #tpu.memory_space<vmem>>
    %dma_wait3A_308 = arith.constant 0 : i32
    %dma_wait3A_309 = arith.constant 0 : i32
    %dma_wait3A_310 = tpu.memref_slice %arg8[%dma_wait3A_308, %dma_wait3A_309] : memref<10000x128xf32, #tpu.memory_space<vmem_shared>> -> memref<10000x128xf32, #tpu.memory_space<vmem_shared>>
    tpu.wait_indirect_dma semaphore(%arg12 : memref<!tpu.dma_semaphore, #tpu.memory_space<semaphore_mem>>) src(%dma_wait3A_304 : memref<128x128xf32, #tpu.memory_space<vmem>>) dst(%dma_wait3A_310 : memref<10000x128xf32, #tpu.memory_space<vmem_shared>>)
    %dma_wait3A_311 = arith.constant 0 : i32
    %dma_wait3A_312 = arith.constant 0 : i32
    %dma_wait3A_313 = arith.constant 0 : i32
    %dma_wait3A_314 = arith.constant 0 : i32
    %dma_wait3A_315 = tpu.memref_slice %arg7[%dma_wait3A_312, %dma_wait3A_313, %dma_wait3A_314] : memref<2x128x128xf32, #tpu.memory_space<vmem>> -> memref<1x128x128xf32, #tpu.memory_space<vmem>>
    %dma_wait3A_316 = tpu.memref_squeeze %dma_wait3A_315 : memref<1x128x128xf32, #tpu.memory_space<vmem>> -> memref<128x128xf32, #tpu.memory_space<vmem>>
    %dma_wait3A_317 = arith.constant 4864 : i32
    %dma_wait3A_318 = tpu.memref_slice %arg5[%dma_wait3A_311, %dma_wait3A_317] : memref<2x4992xi32, #tpu.memory_space<vmem>> -> memref<1x128xi32, #tpu.memory_space<vmem>>
    %dma_wait3A_319 = tpu.memref_squeeze %dma_wait3A_318 : memref<1x128xi32, #tpu.memory_space<vmem>> -> memref<128xi32, #tpu.memory_space<vmem>>
    %dma_wait3A_320 = arith.constant 0 : i32
    %dma_wait3A_321 = arith.constant 0 : i32
    %dma_wait3A_322 = tpu.memref_slice %arg2[%dma_wait3A_320, %dma_wait3A_321] : memref<10000x128xf32, #tpu.memory_space<hbm>> -> memref<10000x128xf32, #tpu.memory_space<hbm>>
    tpu.wait_indirect_dma semaphore(%arg9 : memref<!tpu.dma_semaphore, #tpu.memory_space<semaphore_mem>>) src(%dma_wait3A_322 : memref<10000x128xf32, #tpu.memory_space<hbm>>) dst(%dma_wait3A_316 : memref<128x128xf32, #tpu.memory_space<vmem>>)
    %dma_start3A_323 = arith.constant 0 : i32
    %dma_start3A_324 = arith.constant 1 : i32
    %dma_start3A_325 = arith.constant 0 : i32
    %dma_start3A_326 = arith.constant 0 : i32
    %dma_start3A_327 = tpu.memref_slice %arg7[%dma_start3A_323, %dma_start3A_325, %dma_start3A_326] : memref<2x128x128xf32, #tpu.memory_space<vmem>> -> memref<1x128x128xf32, #tpu.memory_space<vmem>>
    %dma_start3A_328 = tpu.memref_squeeze %dma_start3A_327 : memref<1x128x128xf32, #tpu.memory_space<vmem>> -> memref<128x128xf32, #tpu.memory_space<vmem>>
    %dma_start3A_329 = arith.constant 4864 : i32
    %dma_start3A_330 = tpu.memref_slice %arg5[%dma_start3A_324, %dma_start3A_329] : memref<2x4992xi32, #tpu.memory_space<vmem>> -> memref<1x128xi32, #tpu.memory_space<vmem>>
    %dma_start3A_331 = tpu.memref_squeeze %dma_start3A_330 : memref<1x128xi32, #tpu.memory_space<vmem>> -> memref<128xi32, #tpu.memory_space<vmem>>
    %dma_start3A_332 = arith.constant 0 : i32
    %dma_start3A_333 = arith.constant 0 : i32
    %dma_start3A_334 = tpu.memref_slice %arg8[%dma_start3A_332, %dma_start3A_333] : memref<10000x128xf32, #tpu.memory_space<vmem_shared>> -> memref<10000x128xf32, #tpu.memory_space<vmem_shared>>
    tpu.enqueue_indirect_dma source(%dma_start3A_328 : memref<128x128xf32, #tpu.memory_space<vmem>>) target(%dma_start3A_334 : memref<10000x128xf32, #tpu.memory_space<vmem_shared>>) offsets(%dma_start3A_331 : memref<128xi32, #tpu.memory_space<vmem>>) semaphore(%arg11 : memref<!tpu.dma_semaphore, #tpu.memory_space<semaphore_mem>>) {add = true}
    %dma_wait3A_335 = arith.constant 0 : i32
    %dma_wait3A_336 = arith.constant 1 : i32
    %dma_wait3A_337 = arith.constant 0 : i32
    %dma_wait3A_338 = arith.constant 0 : i32
    %dma_wait3A_339 = tpu.memref_slice %arg7[%dma_wait3A_335, %dma_wait3A_337, %dma_wait3A_338] : memref<2x128x128xf32, #tpu.memory_space<vmem>> -> memref<1x128x128xf32, #tpu.memory_space<vmem>>
    %dma_wait3A_340 = tpu.memref_squeeze %dma_wait3A_339 : memref<1x128x128xf32, #tpu.memory_space<vmem>> -> memref<128x128xf32, #tpu.memory_space<vmem>>
    %dma_wait3A_341 = arith.constant 4864 : i32
    %dma_wait3A_342 = tpu.memref_slice %arg5[%dma_wait3A_336, %dma_wait3A_341] : memref<2x4992xi32, #tpu.memory_space<vmem>> -> memref<1x128xi32, #tpu.memory_space<vmem>>
    %dma_wait3A_343 = tpu.memref_squeeze %dma_wait3A_342 : memref<1x128xi32, #tpu.memory_space<vmem>> -> memref<128xi32, #tpu.memory_space<vmem>>
    %dma_wait3A_344 = arith.constant 0 : i32
    %dma_wait3A_345 = arith.constant 0 : i32
    %dma_wait3A_346 = tpu.memref_slice %arg8[%dma_wait3A_344, %dma_wait3A_345] : memref<10000x128xf32, #tpu.memory_space<vmem_shared>> -> memref<10000x128xf32, #tpu.memory_space<vmem_shared>>
    tpu.wait_indirect_dma semaphore(%arg11 : memref<!tpu.dma_semaphore, #tpu.memory_space<semaphore_mem>>) src(%dma_wait3A_340 : memref<128x128xf32, #tpu.memory_space<vmem>>) dst(%dma_wait3A_346 : memref<10000x128xf32, #tpu.memory_space<vmem_shared>>)
    %lt3A = arith.constant 4 : i32
    %lt3A_347 = arith.cmpi slt, %add3A, %lt3A : i32
    %convert_element_type3A_348 = arith.extui %lt3A_347 : i1 to i32
    %cond3A_349 = arith.constant 0 : i32
    %cond3A_350 = arith.cmpi ne, %convert_element_type3A_348, %cond3A_349 : i32
    scf.if %cond3A_350 {
      %add3A_357 = arith.constant 2496 : i32
      %add3A_358 = arith.addi %add3A_357, %add3A : i32
      %mul3A_359 = arith.constant 128 : i32
      %mul3A_360 = arith.muli %add3A_358, %mul3A_359 : i32
      "tpu.region"() ({
        %run_scoped3A_365 = tpu.sem_alloc : memref<!tpu.dma_semaphore, #tpu.memory_space<semaphore_mem>>
        %dma_start3A_366 = arith.constant 0 : i32
        %dma_start3A_367 = tpu.memref_slice %arg3[%dma_start3A_366, %mul3A_360] : memref<2x320000xi32, #tpu.memory_space<hbm>> -> memref<2x128xi32, #tpu.memory_space<hbm>>
        %dma_start3A_368 = arith.constant 0 : i32
        %dma_start3A_369 = tpu.memref_slice %arg3[%dma_start3A_368, %mul3A_360] : memref<2x320000xi32, #tpu.memory_space<hbm>> -> memref<2x128xi32, #tpu.memory_space<hbm>>
        tpu.enqueue_dma source(%dma_start3A_369 : memref<2x128xi32, #tpu.memory_space<hbm>>) target(%arg6 : memref<2x128xi32, #tpu.memory_space<vmem>>) target_semaphore(%run_scoped3A_365 : memref<!tpu.dma_semaphore, #tpu.memory_space<semaphore_mem>>)
        %dma_wait3A_370 = arith.constant 0 : i32
        %dma_wait3A_371 = tpu.memref_slice %arg3[%dma_wait3A_370, %mul3A_360] : memref<2x320000xi32, #tpu.memory_space<hbm>> -> memref<2x128xi32, #tpu.memory_space<hbm>>
        %dma_wait3A_372 = arith.constant 0 : i32
        %dma_wait3A_373 = tpu.memref_slice %arg3[%dma_wait3A_372, %mul3A_360] : memref<2x320000xi32, #tpu.memory_space<hbm>> -> memref<2x128xi32, #tpu.memory_space<hbm>>
        tpu.wait_dma2 semaphore(%run_scoped3A_365 : memref<!tpu.dma_semaphore, #tpu.memory_space<semaphore_mem>>) src(%dma_wait3A_373 : memref<2x128xi32, #tpu.memory_space<hbm>>) dst(%arg6 : memref<2x128xi32, #tpu.memory_space<vmem>>)
        tpu.yield
      }) : () -> ()
      %run_scoped3A_361 = arith.constant 0 : i32
      %run_scoped3A_362 = arith.constant 0 : i32
      "tpu.region"() ({
        %run_scoped3A_365 = tpu.sem_alloc : memref<!tpu.dma_semaphore, #tpu.memory_space<semaphore_mem>>
        %dma_start3A_366 = arith.constant 0 : i32
        %dma_start3A_367 = arith.constant 0 : i32
        %dma_start3A_368 = tpu.memref_slice %arg7[%run_scoped3A_362, %dma_start3A_366, %dma_start3A_367] : memref<2x128x128xf32, #tpu.memory_space<vmem>> -> memref<1x128x128xf32, #tpu.memory_space<vmem>>
        %dma_start3A_369 = tpu.memref_squeeze %dma_start3A_368 : memref<1x128x128xf32, #tpu.memory_space<vmem>> -> memref<128x128xf32, #tpu.memory_space<vmem>>
        %dma_start3A_370 = arith.constant 0 : i32
        %dma_start3A_371 = tpu.memref_slice %arg6[%run_scoped3A_361, %dma_start3A_370] : memref<2x128xi32, #tpu.memory_space<vmem>> -> memref<1x128xi32, #tpu.memory_space<vmem>>
        %dma_start3A_372 = tpu.memref_squeeze %dma_start3A_371 : memref<1x128xi32, #tpu.memory_space<vmem>> -> memref<128xi32, #tpu.memory_space<vmem>>
        %dma_start3A_373 = arith.constant 0 : i32
        %dma_start3A_374 = arith.constant 0 : i32
        %dma_start3A_375 = tpu.memref_slice %arg2[%dma_start3A_373, %dma_start3A_374] : memref<10000x128xf32, #tpu.memory_space<hbm>> -> memref<10000x128xf32, #tpu.memory_space<hbm>>
        tpu.enqueue_indirect_dma source(%dma_start3A_375 : memref<10000x128xf32, #tpu.memory_space<hbm>>) target(%dma_start3A_369 : memref<128x128xf32, #tpu.memory_space<vmem>>) offsets(%dma_start3A_372 : memref<128xi32, #tpu.memory_space<vmem>>) semaphore(%run_scoped3A_365 : memref<!tpu.dma_semaphore, #tpu.memory_space<semaphore_mem>>)
        %dma_wait3A_376 = arith.constant 0 : i32
        %dma_wait3A_377 = arith.constant 0 : i32
        %dma_wait3A_378 = tpu.memref_slice %arg7[%run_scoped3A_362, %dma_wait3A_376, %dma_wait3A_377] : memref<2x128x128xf32, #tpu.memory_space<vmem>> -> memref<1x128x128xf32, #tpu.memory_space<vmem>>
        %dma_wait3A_379 = tpu.memref_squeeze %dma_wait3A_378 : memref<1x128x128xf32, #tpu.memory_space<vmem>> -> memref<128x128xf32, #tpu.memory_space<vmem>>
        %dma_wait3A_380 = arith.constant 0 : i32
        %dma_wait3A_381 = tpu.memref_slice %arg6[%run_scoped3A_361, %dma_wait3A_380] : memref<2x128xi32, #tpu.memory_space<vmem>> -> memref<1x128xi32, #tpu.memory_space<vmem>>
        %dma_wait3A_382 = tpu.memref_squeeze %dma_wait3A_381 : memref<1x128xi32, #tpu.memory_space<vmem>> -> memref<128xi32, #tpu.memory_space<vmem>>
        %dma_wait3A_383 = arith.constant 0 : i32
        %dma_wait3A_384 = arith.constant 0 : i32
        %dma_wait3A_385 = tpu.memref_slice %arg2[%dma_wait3A_383, %dma_wait3A_384] : memref<10000x128xf32, #tpu.memory_space<hbm>> -> memref<10000x128xf32, #tpu.memory_space<hbm>>
        tpu.wait_indirect_dma semaphore(%run_scoped3A_365 : memref<!tpu.dma_semaphore, #tpu.memory_space<semaphore_mem>>) src(%dma_wait3A_385 : memref<10000x128xf32, #tpu.memory_space<hbm>>) dst(%dma_wait3A_379 : memref<128x128xf32, #tpu.memory_space<vmem>>)
        tpu.yield
      }) : () -> ()
      %run_scoped3A_363 = arith.constant 0 : i32
      %run_scoped3A_364 = arith.constant 1 : i32
      "tpu.region"() ({
        %run_scoped3A_365 = tpu.sem_alloc : memref<!tpu.dma_semaphore, #tpu.memory_space<semaphore_mem>>
        %dma_start3A_366 = arith.constant 0 : i32
        %dma_start3A_367 = arith.constant 0 : i32
        %dma_start3A_368 = tpu.memref_slice %arg7[%run_scoped3A_363, %dma_start3A_366, %dma_start3A_367] : memref<2x128x128xf32, #tpu.memory_space<vmem>> -> memref<1x128x128xf32, #tpu.memory_space<vmem>>
        %dma_start3A_369 = tpu.memref_squeeze %dma_start3A_368 : memref<1x128x128xf32, #tpu.memory_space<vmem>> -> memref<128x128xf32, #tpu.memory_space<vmem>>
        %dma_start3A_370 = arith.constant 0 : i32
        %dma_start3A_371 = tpu.memref_slice %arg6[%run_scoped3A_364, %dma_start3A_370] : memref<2x128xi32, #tpu.memory_space<vmem>> -> memref<1x128xi32, #tpu.memory_space<vmem>>
        %dma_start3A_372 = tpu.memref_squeeze %dma_start3A_371 : memref<1x128xi32, #tpu.memory_space<vmem>> -> memref<128xi32, #tpu.memory_space<vmem>>
        %dma_start3A_373 = arith.constant 0 : i32
        %dma_start3A_374 = arith.constant 0 : i32
        %dma_start3A_375 = tpu.memref_slice %arg8[%dma_start3A_373, %dma_start3A_374] : memref<10000x128xf32, #tpu.memory_space<vmem_shared>> -> memref<10000x128xf32, #tpu.memory_space<vmem_shared>>
        tpu.enqueue_indirect_dma source(%dma_start3A_369 : memref<128x128xf32, #tpu.memory_space<vmem>>) target(%dma_start3A_375 : memref<10000x128xf32, #tpu.memory_space<vmem_shared>>) offsets(%dma_start3A_372 : memref<128xi32, #tpu.memory_space<vmem>>) semaphore(%run_scoped3A_365 : memref<!tpu.dma_semaphore, #tpu.memory_space<semaphore_mem>>) {add = true}
        %dma_wait3A_376 = arith.constant 0 : i32
        %dma_wait3A_377 = arith.constant 0 : i32
        %dma_wait3A_378 = tpu.memref_slice %arg7[%run_scoped3A_363, %dma_wait3A_376, %dma_wait3A_377] : memref<2x128x128xf32, #tpu.memory_space<vmem>> -> memref<1x128x128xf32, #tpu.memory_space<vmem>>
        %dma_wait3A_379 = tpu.memref_squeeze %dma_wait3A_378 : memref<1x128x128xf32, #tpu.memory_space<vmem>> -> memref<128x128xf32, #tpu.memory_space<vmem>>
        %dma_wait3A_380 = arith.constant 0 : i32
        %dma_wait3A_381 = tpu.memref_slice %arg6[%run_scoped3A_364, %dma_wait3A_380] : memref<2x128xi32, #tpu.memory_space<vmem>> -> memref<1x128xi32, #tpu.memory_space<vmem>>
        %dma_wait3A_382 = tpu.memref_squeeze %dma_wait3A_381 : memref<1x128xi32, #tpu.memory_space<vmem>> -> memref<128xi32, #tpu.memory_space<vmem>>
        %dma_wait3A_383 = arith.constant 0 : i32
        %dma_wait3A_384 = arith.constant 0 : i32
        %dma_wait3A_385 = tpu.memref_slice %arg8[%dma_wait3A_383, %dma_wait3A_384] : memref<10000x128xf32, #tpu.memory_space<vmem_shared>> -> memref<10000x128xf32, #tpu.memory_space<vmem_shared>>
        tpu.wait_indirect_dma semaphore(%run_scoped3A_365 : memref<!tpu.dma_semaphore, #tpu.memory_space<semaphore_mem>>) src(%dma_wait3A_379 : memref<128x128xf32, #tpu.memory_space<vmem>>) dst(%dma_wait3A_385 : memref<10000x128xf32, #tpu.memory_space<vmem_shared>>)
        tpu.yield
      }) : () -> ()
    } else {
    }
    %barrier3A_351 = arith.constant 0 : index
    tpu.barrier barrier_id(%barrier3A_351)
    "tpu.region"() ({
      %run_scoped3A_357 = tpu.sem_alloc : memref<!tpu.dma_semaphore, #tpu.memory_space<semaphore_mem>>
      %dma_start3A_358 = arith.constant 0 : i32
      %dma_start3A_359 = tpu.memref_slice %arg4[%arg0, %mul3A_16, %dma_start3A_358] : memref<2x10000x128xf32, #tpu.memory_space<hbm>> -> memref<1x624x128xf32, #tpu.memory_space<hbm>>
      %dma_start3A_360 = tpu.memref_squeeze %dma_start3A_359 : memref<1x624x128xf32, #tpu.memory_space<hbm>> -> memref<624x128xf32, #tpu.memory_space<hbm>>
      %dma_start3A_361 = arith.constant 0 : i32
      %dma_start3A_362 = tpu.memref_slice %arg8[%mul3A_16, %dma_start3A_361] : memref<10000x128xf32, #tpu.memory_space<vmem_shared>> -> memref<624x128xf32, #tpu.memory_space<vmem_shared>>
      tpu.enqueue_dma source(%dma_start3A_362 : memref<624x128xf32, #tpu.memory_space<vmem_shared>>) target(%dma_start3A_360 : memref<624x128xf32, #tpu.memory_space<hbm>>) target_semaphore(%run_scoped3A_357 : memref<!tpu.dma_semaphore, #tpu.memory_space<semaphore_mem>>)
      %dma_wait3A_363 = arith.constant 0 : i32
      %dma_wait3A_364 = tpu.memref_slice %arg4[%arg0, %mul3A_16, %dma_wait3A_363] : memref<2x10000x128xf32, #tpu.memory_space<hbm>> -> memref<1x624x128xf32, #tpu.memory_space<hbm>>
      %dma_wait3A_365 = tpu.memref_squeeze %dma_wait3A_364 : memref<1x624x128xf32, #tpu.memory_space<hbm>> -> memref<624x128xf32, #tpu.memory_space<hbm>>
      %dma_wait3A_366 = arith.constant 0 : i32
      %dma_wait3A_367 = tpu.memref_slice %arg8[%mul3A_16, %dma_wait3A_366] : memref<10000x128xf32, #tpu.memory_space<vmem_shared>> -> memref<624x128xf32, #tpu.memory_space<vmem_shared>>
      tpu.wait_dma2 semaphore(%run_scoped3A_357 : memref<!tpu.dma_semaphore, #tpu.memory_space<semaphore_mem>>) src(%dma_wait3A_367 : memref<624x128xf32, #tpu.memory_space<vmem_shared>>) dst(%dma_wait3A_365 : memref<624x128xf32, #tpu.memory_space<hbm>>)
      tpu.yield
    }) : () -> ()
    %eq3A_352 = arith.constant 0 : i32
    %eq3A_353 = arith.cmpi eq, %arg1, %eq3A_352 : i32
    %convert_element_type3A_354 = arith.extui %eq3A_353 : i1 to i32
    %cond3A_355 = arith.constant 0 : i32
    %cond3A_356 = arith.cmpi ne, %convert_element_type3A_354, %cond3A_355 : i32
    scf.if %cond3A_356 {
      "tpu.region"() ({
        %run_scoped3A_357 = tpu.sem_alloc : memref<!tpu.dma_semaphore, #tpu.memory_space<semaphore_mem>>
        %dma_start3A_358 = arith.constant 9984 : i32
        %dma_start3A_359 = arith.constant 0 : i32
        %dma_start3A_360 = tpu.memref_slice %arg4[%arg0, %dma_start3A_358, %dma_start3A_359] : memref<2x10000x128xf32, #tpu.memory_space<hbm>> -> memref<1x16x128xf32, #tpu.memory_space<hbm>>
        %dma_start3A_361 = tpu.memref_squeeze %dma_start3A_360 : memref<1x16x128xf32, #tpu.memory_space<hbm>> -> memref<16x128xf32, #tpu.memory_space<hbm>>
        %dma_start3A_362 = arith.constant 9984 : i32
        %dma_start3A_363 = arith.constant 0 : i32
        %dma_start3A_364 = tpu.memref_slice %arg8[%dma_start3A_362, %dma_start3A_363] : memref<10000x128xf32, #tpu.memory_space<vmem_shared>> -> memref<16x128xf32, #tpu.memory_space<vmem_shared>>
        tpu.enqueue_dma source(%dma_start3A_364 : memref<16x128xf32, #tpu.memory_space<vmem_shared>>) target(%dma_start3A_361 : memref<16x128xf32, #tpu.memory_space<hbm>>) target_semaphore(%run_scoped3A_357 : memref<!tpu.dma_semaphore, #tpu.memory_space<semaphore_mem>>)
        %dma_wait3A_365 = arith.constant 9984 : i32
        %dma_wait3A_366 = arith.constant 0 : i32
        %dma_wait3A_367 = tpu.memref_slice %arg4[%arg0, %dma_wait3A_365, %dma_wait3A_366] : memref<2x10000x128xf32, #tpu.memory_space<hbm>> -> memref<1x16x128xf32, #tpu.memory_space<hbm>>
        %dma_wait3A_368 = tpu.memref_squeeze %dma_wait3A_367 : memref<1x16x128xf32, #tpu.memory_space<hbm>> -> memref<16x128xf32, #tpu.memory_space<hbm>>
        %dma_wait3A_369 = arith.constant 9984 : i32
        %dma_wait3A_370 = arith.constant 0 : i32
        %dma_wait3A_371 = tpu.memref_slice %arg8[%dma_wait3A_369, %dma_wait3A_370] : memref<10000x128xf32, #tpu.memory_space<vmem_shared>> -> memref<16x128xf32, #tpu.memory_space<vmem_shared>>
        tpu.wait_dma2 semaphore(%run_scoped3A_357 : memref<!tpu.dma_semaphore, #tpu.memory_space<semaphore_mem>>) src(%dma_wait3A_371 : memref<16x128xf32, #tpu.memory_space<vmem_shared>>) dst(%dma_wait3A_368 : memref<16x128xf32, #tpu.memory_space<hbm>>)
        tpu.yield
      }) : () -> ()
    } else {
    }
    return
  }
}

module attributes {stable_mosaic.version = 14 : i64} {
  func.func @_fin_body(%arg0: i32, %arg1: memref<2x1024x128xf32, #tpu.memory_space<vmem>>, %arg2: memref<1024x128xf32, #tpu.memory_space<vmem>>, %arg3: memref<1024xf32, #tpu.memory_space<vmem>>, %arg4: memref<1024xf32, #tpu.memory_space<vmem>>, %arg5: memref<128x128xf32, #tpu.memory_space<vmem>>, %arg6: memref<128xf32, #tpu.memory_space<vmem>>, %arg7: memref<1024x128xf32, #tpu.memory_space<vmem>>) attributes {dimension_semantics = [#tpu.dimension_semantics<arbitrary>], iteration_bounds = array<i64: 10>, scalar_prefetch = 0 : i64, scratch_operands = 0 : i64, tpu.core_type = #tpu.core_type<tc>, window_params = [{transform_indices = @transform_0, window_bounds = array<i64: 2, 1024, 128>}, {transform_indices = @transform_1, window_bounds = array<i64: 1024, 128>}, {transform_indices = @transform_2, window_bounds = array<i64: 1024>}, {transform_indices = @transform_3, window_bounds = array<i64: 1024>}, {pipeline_mode = #tpu.pipeline_mode<synchronous>, transform_indices = @transform_4, window_bounds = array<i64: 128, 128>}, {pipeline_mode = #tpu.pipeline_mode<synchronous>, transform_indices = @transform_5, window_bounds = array<i64: 128>}, {transform_indices = @transform_6, window_bounds = array<i64: 1024, 128>}]} {
    %get3A = arith.constant 0 : index
    %get3A_0 = arith.constant 0 : index
    %get3A_1 = arith.constant 0 : index
    %get3A_2 = vector.load %arg1[%get3A, %get3A_0, %get3A_1] : memref<2x1024x128xf32, #tpu.memory_space<vmem>>, vector<2x1024x128xf32>
    %get3A_3 = arith.constant 0 : index
    %get3A_4 = arith.constant 0 : index
    %get3A_5 = vector.load %arg2[%get3A_3, %get3A_4] : memref<1024x128xf32, #tpu.memory_space<vmem>>, vector<1024x128xf32>
    %slice3A = vector.extract_strided_slice %get3A_2 {offsets = [0, 0, 0], sizes = [1, 1024, 128], strides = [1, 1, 1]} : vector<2x1024x128xf32> to vector<1x1024x128xf32>
    %squeeze3A = vector.shape_cast %slice3A : vector<1x1024x128xf32> to vector<1024x128xf32>
    %slice3A_6 = vector.extract_strided_slice %get3A_2 {offsets = [1, 0, 0], sizes = [1, 1024, 128], strides = [1, 1, 1]} : vector<2x1024x128xf32> to vector<1x1024x128xf32>
    %squeeze3A_7 = vector.shape_cast %slice3A_6 : vector<1x1024x128xf32> to vector<1024x128xf32>
    %add3A = arith.addf %squeeze3A, %squeeze3A_7 : vector<1024x128xf32>
    %get3A_8 = arith.constant 0 : index
    %get3A_9 = vector.load %arg3[%get3A_8] : memref<1024xf32, #tpu.memory_space<vmem>>, vector<1024xf32>
    %broadcast_in_dim3A = vector.shape_cast %get3A_9 : vector<1024xf32> to vector<1024x1xf32>
    %mul3A = vector.broadcast %broadcast_in_dim3A : vector<1024x1xf32> to vector<1024x128xf32>
    %mul3A_10 = arith.mulf %add3A, %mul3A : vector<1024x128xf32>
    %get3A_11 = arith.constant 0 : index
    %get3A_12 = vector.load %arg4[%get3A_11] : memref<1024xf32, #tpu.memory_space<vmem>>, vector<1024xf32>
    %broadcast_in_dim3A_13 = vector.shape_cast %get3A_12 : vector<1024xf32> to vector<1024x1xf32>
    %mul3A_14 = vector.broadcast %broadcast_in_dim3A_13 : vector<1024x1xf32> to vector<1024x128xf32>
    %mul3A_15 = arith.mulf %get3A_5, %mul3A_14 : vector<1024x128xf32>
    %add3A_16 = arith.addf %mul3A_10, %mul3A_15 : vector<1024x128xf32>
    %get3A_17 = arith.constant 0 : index
    %get3A_18 = arith.constant 0 : index
    %get3A_19 = vector.load %arg5[%get3A_17, %get3A_18] : memref<128x128xf32, #tpu.memory_space<vmem>>, vector<128x128xf32>
    %dot_general3A = arith.constant dense<0.000000e+00> : vector<1024x128xf32>
    %dot_general3A_20 = tpu.matmul %add3A_16, %get3A_19, %dot_general3A {dimension_numbers = #tpu.dot_dimension_numbers<[1], [0], [0], [1], [0, 0, 1, 1], [], []>, transpose_lhs_hint = false} : vector<1024x128xf32>, vector<128x128xf32>, vector<1024x128xf32> -> vector<1024x128xf32>
    %add3A_21 = arith.addf %get3A_5, %dot_general3A_20 : vector<1024x128xf32>
    %get3A_22 = arith.constant 0 : index
    %get3A_23 = vector.load %arg6[%get3A_22] : memref<128xf32, #tpu.memory_space<vmem>>, vector<128xf32>
    %broadcast_in_dim3A_24 = vector.shape_cast %get3A_23 : vector<128xf32> to vector<1x128xf32>
    %add3A_25 = vector.broadcast %broadcast_in_dim3A_24 : vector<1x128xf32> to vector<1024x128xf32>
    %add3A_26 = arith.addf %add3A_21, %add3A_25 : vector<1024x128xf32>
    %swap3A = arith.constant 0 : index
    %swap3A_27 = arith.constant 0 : index
    %swap3A_28 = vector.load %arg7[%swap3A, %swap3A_27] : memref<1024x128xf32, #tpu.memory_space<vmem>>, vector<1024x128xf32>
    tpu.vector_store %arg7[%swap3A, %swap3A_27], %add3A_26 {strides = array<i32>} : memref<1024x128xf32, #tpu.memory_space<vmem>>, vector<1024x128xf32>,
    return
  }
  func.func @transform_0(%arg0: i32) -> (i32, i32, i32) {
    %c0_i32 = arith.constant 0 : i32
    %c0_i32_0 = arith.constant 0 : i32
    %c0_i32_1 = arith.constant 0 : i32
    return %c0_i32, %arg0, %c0_i32_0 : i32, i32, i32
  }
  func.func @transform_1(%arg0: i32) -> (i32, i32) {
    %c0_i32 = arith.constant 0 : i32
    %c0_i32_0 = arith.constant 0 : i32
    return %arg0, %c0_i32 : i32, i32
  }
  func.func @transform_2(%arg0: i32) -> i32 {
    %c0_i32 = arith.constant 0 : i32
    return %arg0 : i32
  }
  func.func @transform_3(%arg0: i32) -> i32 {
    %c0_i32 = arith.constant 0 : i32
    return %arg0 : i32
  }
  func.func @transform_4(%arg0: i32) -> (i32, i32) {
    %c0_i32 = arith.constant 0 : i32
    %c0_i32_0 = arith.constant 0 : i32
    %c0_i32_1 = arith.constant 0 : i32
    return %c0_i32, %c0_i32_0 : i32, i32
  }
  func.func @transform_5(%arg0: i32) -> i32 {
    %c0_i32 = arith.constant 0 : i32
    %c0_i32_0 = arith.constant 0 : i32
    return %c0_i32 : i32
  }
  func.func @transform_6(%arg0: i32) -> (i32, i32) {
    %c0_i32 = arith.constant 0 : i32
    %c0_i32_0 = arith.constant 0 : i32
    return %arg0, %c0_i32 : i32, i32
  }
}

module attributes {stable_mosaic.version = 14 : i64} {
  func.func @_enc_body(%arg0: i32, %arg1: memref<1024x128xf32, #tpu.memory_space<vmem>>, %arg2: memref<128x128xf32, #tpu.memory_space<vmem>>, %arg3: memref<128xf32, #tpu.memory_space<vmem>>, %arg4: memref<1024x128xf32, #tpu.memory_space<vmem>>) attributes {dimension_semantics = [#tpu.dimension_semantics<arbitrary>], iteration_bounds = array<i64: 10>, scalar_prefetch = 0 : i64, scratch_operands = 0 : i64, tpu.core_type = #tpu.core_type<tc>, window_params = [{transform_indices = @transform_0, window_bounds = array<i64: 1024, 128>}, {pipeline_mode = #tpu.pipeline_mode<synchronous>, transform_indices = @transform_1, window_bounds = array<i64: 128, 128>}, {pipeline_mode = #tpu.pipeline_mode<synchronous>, transform_indices = @transform_2, window_bounds = array<i64: 128>}, {transform_indices = @transform_3, window_bounds = array<i64: 1024, 128>}]} {
    %get3A = arith.constant 0 : index
    %get3A_0 = arith.constant 0 : index
    %get3A_1 = vector.load %arg1[%get3A, %get3A_0] : memref<1024x128xf32, #tpu.memory_space<vmem>>, vector<1024x128xf32>
    %get3A_2 = arith.constant 0 : index
    %get3A_3 = arith.constant 0 : index
    %get3A_4 = vector.load %arg2[%get3A_2, %get3A_3] : memref<128x128xf32, #tpu.memory_space<vmem>>, vector<128x128xf32>
    %dot_general3A = arith.constant dense<0.000000e+00> : vector<1024x128xf32>
    %dot_general3A_5 = tpu.matmul %get3A_1, %get3A_4, %dot_general3A {dimension_numbers = #tpu.dot_dimension_numbers<[1], [0], [0], [1], [0, 0, 1, 1], [], []>, transpose_lhs_hint = false} : vector<1024x128xf32>, vector<128x128xf32>, vector<1024x128xf32> -> vector<1024x128xf32>
    %get3A_6 = arith.constant 0 : index
    %get3A_7 = vector.load %arg3[%get3A_6] : memref<128xf32, #tpu.memory_space<vmem>>, vector<128xf32>
    %broadcast_in_dim3A = vector.shape_cast %get3A_7 : vector<128xf32> to vector<1x128xf32>
    %add3A = vector.broadcast %broadcast_in_dim3A : vector<1x128xf32> to vector<1024x128xf32>
    %add3A_8 = arith.addf %dot_general3A_5, %add3A : vector<1024x128xf32>
    %max3A = arith.constant 0.000000e+00 : f32
    %max3A_9 = vector.broadcast %max3A : f32 to vector<1024x128xf32>
    %max3A_10 = arith.maximumf %add3A_8, %max3A_9 : vector<1024x128xf32>
    %swap3A = arith.constant 0 : index
    %swap3A_11 = arith.constant 0 : index
    %swap3A_12 = vector.load %arg4[%swap3A, %swap3A_11] : memref<1024x128xf32, #tpu.memory_space<vmem>>, vector<1024x128xf32>
    tpu.vector_store %arg4[%swap3A, %swap3A_11], %max3A_10 {strides = array<i32>} : memref<1024x128xf32, #tpu.memory_space<vmem>>, vector<1024x128xf32>,
    return
  }
  func.func @transform_0(%arg0: i32) -> (i32, i32) {
    %c0_i32 = arith.constant 0 : i32
    %c0_i32_0 = arith.constant 0 : i32
    return %arg0, %c0_i32 : i32, i32
  }
  func.func @transform_1(%arg0: i32) -> (i32, i32) {
    %c0_i32 = arith.constant 0 : i32
    %c0_i32_0 = arith.constant 0 : i32
    %c0_i32_1 = arith.constant 0 : i32
    return %c0_i32, %c0_i32_0 : i32, i32
  }
  func.func @transform_2(%arg0: i32) -> i32 {
    %c0_i32 = arith.constant 0 : i32
    %c0_i32_0 = arith.constant 0 : i32
    return %c0_i32 : i32
  }
  func.func @transform_3(%arg0: i32) -> (i32, i32) {
    %c0_i32 = arith.constant 0 : i32
    %c0_i32_0 = arith.constant 0 : i32
    return %arg0, %c0_i32 : i32, i32
  }
}

module attributes {stable_mosaic.version = 14 : i64} {
  func.func @_scale_body(%arg0: i32, %arg1: memref<1024x128xf32, #tpu.memory_space<vmem>>, %arg2: memref<32x2x1024xf32, #tpu.memory_space<vmem>>, %arg3: memref<1024x128xf32, #tpu.memory_space<vmem>>, %arg4: memref<1024xf32, #tpu.memory_space<vmem>>, %arg5: memref<1024xf32, #tpu.memory_space<vmem>>) attributes {dimension_semantics = [#tpu.dimension_semantics<arbitrary>], iteration_bounds = array<i64: 10>, scalar_prefetch = 0 : i64, scratch_operands = 0 : i64, tpu.core_type = #tpu.core_type<tc>, window_params = [{transform_indices = @transform_0, window_bounds = array<i64: 1024, 128>}, {transform_indices = @transform_1, window_bounds = array<i64: 32, 2, 1024>}, {transform_indices = @transform_2, window_bounds = array<i64: 1024, 128>}, {transform_indices = @transform_3, window_bounds = array<i64: 1024>}, {transform_indices = @transform_4, window_bounds = array<i64: 1024>}]} {
    %get3A = arith.constant 0 : index
    %get3A_0 = arith.constant 0 : index
    %get3A_1 = arith.constant 0 : index
    %get3A_2 = vector.load %arg2[%get3A, %get3A_0, %get3A_1] : memref<32x2x1024xf32, #tpu.memory_space<vmem>>, vector<32x2x1024xf32>
    %reduce_sum3A = arith.constant dense<0.000000e+00> : vector<2x1024xf32>
    %reduce_sum3A_3 = vector.multi_reduction <add>, %get3A_2, %reduce_sum3A [0] : vector<32x2x1024xf32> to vector<2x1024xf32>
    %add3A = arith.constant 1.000000e+00 : f32
    %add3A_4 = vector.broadcast %add3A : f32 to vector<2x1024xf32>
    %add3A_5 = arith.addf %reduce_sum3A_3, %add3A_4 : vector<2x1024xf32>
    %slice3A = vector.extract_strided_slice %add3A_5 {offsets = [0, 0], sizes = [1, 1024], strides = [1, 1]} : vector<2x1024xf32> to vector<1x1024xf32>
    %squeeze3A = vector.shape_cast %slice3A : vector<1x1024xf32> to vector<1024xf32>
    %rsqrt3A = math.rsqrt %squeeze3A : vector<1024xf32>
    %slice3A_6 = vector.extract_strided_slice %add3A_5 {offsets = [1, 0], sizes = [1, 1024], strides = [1, 1]} : vector<2x1024xf32> to vector<1x1024xf32>
    %squeeze3A_7 = vector.shape_cast %slice3A_6 : vector<1x1024xf32> to vector<1024xf32>
    %rsqrt3A_8 = math.rsqrt %squeeze3A_7 : vector<1024xf32>
    %get3A_9 = arith.constant 0 : index
    %get3A_10 = arith.constant 0 : index
    %get3A_11 = vector.load %arg1[%get3A_9, %get3A_10] : memref<1024x128xf32, #tpu.memory_space<vmem>>, vector<1024x128xf32>
    %broadcast_in_dim3A = vector.shape_cast %rsqrt3A : vector<1024xf32> to vector<1024x1xf32>
    %mul3A = vector.broadcast %broadcast_in_dim3A : vector<1024x1xf32> to vector<1024x128xf32>
    %mul3A_12 = arith.mulf %get3A_11, %mul3A : vector<1024x128xf32>
    %swap3A = arith.constant 0 : index
    %swap3A_13 = arith.constant 0 : index
    %swap3A_14 = vector.load %arg3[%swap3A, %swap3A_13] : memref<1024x128xf32, #tpu.memory_space<vmem>>, vector<1024x128xf32>
    tpu.vector_store %arg3[%swap3A, %swap3A_13], %mul3A_12 {strides = array<i32>} : memref<1024x128xf32, #tpu.memory_space<vmem>>, vector<1024x128xf32>,
    %swap3A_15 = arith.constant 0 : index
    %swap3A_16 = vector.load %arg4[%swap3A_15] : memref<1024xf32, #tpu.memory_space<vmem>>, vector<1024xf32>
    tpu.vector_store %arg4[%swap3A_15], %rsqrt3A_8 {strides = array<i32>} : memref<1024xf32, #tpu.memory_space<vmem>>, vector<1024xf32>,
    %mul3A_17 = arith.mulf %rsqrt3A, %rsqrt3A_8 : vector<1024xf32>
    %swap3A_18 = arith.constant 0 : index
    %swap3A_19 = vector.load %arg5[%swap3A_18] : memref<1024xf32, #tpu.memory_space<vmem>>, vector<1024xf32>
    tpu.vector_store %arg5[%swap3A_18], %mul3A_17 {strides = array<i32>} : memref<1024xf32, #tpu.memory_space<vmem>>, vector<1024xf32>,
    return
  }
  func.func @transform_0(%arg0: i32) -> (i32, i32) {
    %c0_i32 = arith.constant 0 : i32
    %c0_i32_0 = arith.constant 0 : i32
    return %arg0, %c0_i32 : i32, i32
  }
  func.func @transform_1(%arg0: i32) -> (i32, i32, i32) {
    %c0_i32 = arith.constant 0 : i32
    %c0_i32_0 = arith.constant 0 : i32
    %c0_i32_1 = arith.constant 0 : i32
    return %c0_i32, %c0_i32_0, %arg0 : i32, i32, i32
  }
  func.func @transform_2(%arg0: i32) -> (i32, i32) {
    %c0_i32 = arith.constant 0 : i32
    %c0_i32_0 = arith.constant 0 : i32
    return %arg0, %c0_i32 : i32, i32
  }
  func.func @transform_3(%arg0: i32) -> i32 {
    %c0_i32 = arith.constant 0 : i32
    return %arg0 : i32
  }
  func.func @transform_4(%arg0: i32) -> i32 {
    %c0_i32 = arith.constant 0 : i32
    return %arg0 : i32
  }
}

</mosaic_0001>

<sc_bundles>
// kernel: kernel.10.cloned.1.call-start
scs
__scs_entry_jumppad:
0x0: {  	(pc) =	sbr.rel $0x88, $3  }
0x1: {  	(tag) =	ssettag $0x0;
	lr =	simm.s32 $0x1  }
0x2: {  	[smem:$0x3F9B] =	sst lr;
	_ =	strace $0xD0000000  }
0x3: {  	_ = 	snop  }
0x4: {  	_ = 	snop  }
0x5: {  	_ = 	snop  }
0x6: {  	_ = 	snop  }
0x7: {  	_ = 	snop  }
__scs_overlays_trampoline_lowered:
0x8: {  	[smem:$0x3FAA] =	sst s0  }
0x9: {  	[smem:$0x3FAB] =	sst s1  }
0xa: {  	[smem:$0x3FAC] =	sst s2  }
0xb: {  	[smem:$0x3FAD] =	sst s3  }
0xc: {  	[smem:$0x3FAE] =	sst s4  }
0xd: {  	[smem:$0x3FAF] =	sst s5  }
0xe: {  	[smem:$0x3FB0] =	sst s6  }
0xf: {  	[smem:$0x3FB1] =	sst s7  }
0x10: {  	[smem:$0x3FB2] =	sst s8  }
0x11: {  	[smem:$0x3FB3] =	sst s9;
	s0 =	simm.s32 @!p0 $0x0  }
0x12: {  	s1 =	sld [smem:$0x3F99];
	s0 =	simm.s32 @p0 $0x1  }
0x13: {  	[smem:$0x3FB4] =	sst s0;
	s0 =	simm.s32 @!p1 $0x0  }
0x14: {  	s2 =	sld [smem:$0x3F98];
	s0 =	simm.s32 @p1 $0x1  }
0x15: {  	[smem:$0x3FB5] =	sst s0;
	s0 =	simm.s32 @!p2 $0x0  }
0x16: {  	s3 =	sld [smem:$0x3FDB];
	s0 =	simm.s32 @p2 $0x1  }
0x17: {  	s4 =	simm.s32 $0x1BF5;
	[smem:$0x3FB7] =	sst s0  }
0x18: {  	s0 =	sld [smem:$0x3F9A];
	_ =	swait.ge [sflag:s4], $0x0  }
0x19: {  	s7 =	sld [smem:$0x3F9B]  }
0x1a: {  	s8 =	sadd.s32 $0xFFFFE003, lr  }
0x1b: {  	s9 =	sadd.s32 $0xFFFFFEF7, lr;
	s5 =	simm.s32 $0xFFFFFFFF;
	p2 =	slt.u32 s8, $0xFFFFF086  }
0x1c: {  	p1 =	slt.u32 s9, $0xF7A;
	s5 =	simm.s32 @!p2 $0x0  }
0x1d: {  	s5 =	simm.s32 @p1 $0x1;
	p0 =	seq.s32 s7, s2  }
0x1e: {  	s7 =	smul.u32 @!p0 $0xF7A, s2;
	p2 =	seq.s32 @!p0 s5, $0x0  }
0x1f: {  	s9 =	smul.u32 $0xF7A, s1;
	s8 =	simm.s32 @!p0 $0x1BF5;
	p2 =	por !p2, p0  }
0x20: {  	[sflag:s8] =	ssyncset.s32 @!p0 $0xFFFFF086;
	s6 =	sadd.s32 @!p0 s3, s7;
	s7 =	simm.s32 @!p0 $0x108  }
0x21: {  	s3 =	sadd.s32 s3, s9;
	s6 =	sadd.s32 @!p0 $0x88, s6;
	s7 =	simm.s32 @p2 $0x1082  }
0x22: {  	[simem:s7], [sflag:s8] =	dma.local @!p0 [hbm:s6], $0xF7A  }
0x23: {  	s9 =	sor.u32 $0xD0000000, s2;
	s6 =	simm.s32 $0x108;
	_ =	swait.ge @!p0 [sflag:s8], $0x0  }
0x24: {  	s3 =	sadd.s32 $0x88, s3;
	s6 =	simm.s32 @!p1 $0x1082;
	[sflag:s4] =	ssyncset.s32 $0xFFFFF086  }
0x25: {  	[simem:s6], [sflag:s4] =	dma.local [hbm:s3], $0xF7A  }
0x26: {  	[smem:$0x3F9B] =	sst s1;
	(tag) =	ssettag s2;
	_ =	strace s9  }
0x27: {  	s1 =	sld [smem:$0x3FAB]  }
0x28: {  	s2 =	sld [smem:$0x3FAC]  }
0x29: {  	s4 =	sld [smem:$0x3FAE]  }
0x2a: {  	p0 =	seq.s32 s5, $0x0;
	s5 =	sld [smem:$0x3FAF]  }
0x2b: {  	s6 =	sld [smem:$0x3FB0]  }
0x2c: {  	s7 =	sld [smem:$0x3FB1]  }
0x2d: {  	s3 =	simm.s32 $0x108;
	s8 =	sld [smem:$0x3FB2]  }
0x2e: {  	s3 =	simm.s32 @!p0 $0x1082;
	s9 =	sld [smem:$0x3FB3]  }
0x2f: {  	lr =	sadd.s32 s0, s3;
	s0 =	sld [smem:$0x3FAA]  }
0x30: {  	s3 =	sld [smem:$0x3FAD]  }
0x31: {  	[smem:$0x3FB6] =	sst s10  }
0x32: {  	s10 =	sld [smem:$0x3FB4];
	_ =	sdelay $0x3  }
0x33: {  	p0 =	seq.s32 s10, $0x1;
	s10 =	sld [smem:$0x3FB6];
	_ =	sdelay $0x3  }
0x34: {  	[smem:$0x3FB6] =	sst s10  }
0x35: {  	s10 =	sld [smem:$0x3FB5];
	_ =	sdelay $0x3  }
0x36: {  	p1 =	seq.s32 s10, $0x1;
	s10 =	sld [smem:$0x3FB6];
	_ =	sdelay $0x3  }
0x37: {  	[smem:$0x3FB6] =	sst s10  }
0x38: {  	s10 =	sld [smem:$0x3FB7]  }
0x39: {  	_ = 	snop;
	(pc) =	sbr.ind lr, $3  }
0x3a: {  	_ = 	snop  }
0x3b: {  	_ = 	snop  }
0x3c: {  	p2 =	seq.s32 s10, $0x1;
	s10 =	sld [smem:$0x3FB6]  }
0x3d: {  	_ =	shalt  }
0x3e: {  	_ =	shalt  }
0x3f: {  	_ =	shalt  }
0x40: {  	_ =	shalt  }
0x41: {  	_ =	shalt  }
0x42: {  	_ =	shalt  }
0x43: {  	_ =	shalt  }
0x44: {  	_ =	shalt  }
0x45: {  	_ =	shalt  }
0x46: {  	_ =	shalt  }
0x47: {  	_ =	shalt  }
0x48: {  	_ =	shalt  }
0x49: {  	_ =	shalt  }
0x4a: {  	_ =	shalt  }
0x4b: {  	_ =	shalt  }
0x4c: {  	_ =	shalt  }
0x4d: {  	_ =	shalt  }
0x4e: {  	_ =	shalt  }
0x4f: {  	_ =	shalt  }
0x50: {  	_ =	shalt  }
0x51: {  	_ =	shalt  }
0x52: {  	_ =	shalt  }
0x53: {  	_ =	shalt  }
0x54: {  	_ =	shalt  }
0x55: {  	_ =	shalt  }
0x56: {  	_ =	shalt  }
0x57: {  	_ =	shalt  }
0x58: {  	_ =	shalt  }
0x59: {  	_ =	shalt  }
0x5a: {  	_ =	shalt  }
0x5b: {  	_ =	shalt  }
0x5c: {  	_ =	shalt  }
0x5d: {  	_ =	shalt  }
0x5e: {  	_ =	shalt  }
0x5f: {  	_ =	shalt  }
0x60: {  	_ =	shalt  }
0x61: {  	_ =	shalt  }
0x62: {  	_ =	shalt  }
0x63: {  	_ =	shalt  }
0x64: {  	_ =	shalt  }
0x65: {  	_ =	shalt  }
0x66: {  	_ =	shalt  }
0x67: {  	_ =	shalt  }
0x68: {  	_ =	shalt  }
0x69: {  	_ =	shalt  }
0x6a: {  	_ =	shalt  }
0x6b: {  	_ =	shalt  }
0x6c: {  	_ =	shalt  }
0x6d: {  	_ =	shalt  }
0x6e: {  	_ =	shalt  }
0x6f: {  	_ =	shalt  }
0x70: {  	_ =	shalt  }
0x71: {  	_ =	shalt  }
0x72: {  	_ =	shalt  }
0x73: {  	_ =	shalt  }
0x74: {  	_ =	shalt  }
0x75: {  	_ =	shalt  }
0x76: {  	_ =	shalt  }
0x77: {  	_ =	shalt  }
0x78: {  	_ =	shalt  }
0x79: {  	_ =	shalt  }
0x7a: {  	_ =	shalt  }
0x7b: {  	_ =	shalt  }
0x7c: {  	_ =	shalt  }
0x7d: {  	_ =	shalt  }
0x7e: {  	_ =	shalt  }
0x7f: {  	_ =	shalt  }
0x80: {  	_ =	shalt  }
0x81: {  	_ =	shalt  }
0x82: {  	_ =	shalt  }
0x83: {  	_ =	shalt  }
0x84: {  	_ =	shalt  }
0x85: {  	_ =	shalt  }
0x86: {  	_ =	shalt  }
0x87: {  	_ =	shalt  }
.Lfunc_end0:
.L_simem_size_0:
called_computation.1_lowered:
.L_overlay_start_0:
0x88: {  	s2 =	sld [smem:$0x3FD9]  }
0x89: {  	s3 =	sld [smem:$0x3FFE];
	_ =	sdelay $0x1  }
0x8a: {  	s1 =	srdreg.scid  }
0x8b: {  	s0 =	sand.u32 $0x1, s1  }
0x8c: {  	s17 =	sshll.u32 s0, $0xA;
	s2 =	sadd.s32 s3, s2  }
0x8d: {  	s2 =	sadd.s32 s2, s17  }
0x8e: {  	[smem:$0x3FC2] =	sst s2  }
0x8f: {  	_ = 	snop  }
0x90: {  	s2 =	sld [smem:$0x3FC8]  }
0x91: {  	s18 =	sld [smem:$0x3FD0];
	(tm) =	ssettm $0x1  }
0x92: {  	s4 =	sld [smem:$0x3FFB];
	_ =	sdelay $0x3  }
0x93: {  	_ =	strace s4  }
0x94: {  	s4 =	sld [smem:$0x3FFC];
	_ =	sdelay $0x3  }
0x95: {  	_ =	strace s4  }
0x96: {  	s4 =	sld [smem:$0x3FFD];
	_ =	sdelay $0x3  }
0x97: {  	_ =	strace s4  }
0x98: {  	_ =	strace $0x8FFFFFFF  }
0x99: {  	s19 =	sld [smem:$0x3FDB];
	_ =	sdelay $0x1  }
0x9a: {  	s5 =	simm.s32 $_scs_section_size  }
0x9b: {  	s6 =	simm.s32 $_size__tile_overlayer_lowered;
	s7 =	simm.s32 $_tile_overlayer_lowered  }
0x9c: {  	s22 =	simm.s32 $0x1BFF;
	s21 =	sshll.u32 s7, $0x1;
	s4 =	sadd.s32 s5, s19  }
0x9d: {  	s8 =	simm.s32 $0x0;
	s20 =	sshll.u32 s6, $0x1;
	s6 =	sadd.s32 s21, s4  }
0x9e: {  	[timem:s8], [sflag:s22] =	dma.local [hbm:s6], s20  }
0x9f: {  	_ =	swait.ge [sflag:s22], s20  }
0xa0: {  	s5 =	ssub.s32 $0x0, s20;
	[sflag:s22] =	ssyncset.done $0x0  }
0xa1: {  	[sflag:s22] =	ssyncadd.s32 s5;
	_ =	sdelay $0x1  }
0xa2: {  	s23 =	simm.s32 $0x1B8B  }
0xa3: {  	_ =	swait.ge [sflag:s23], $0x1  }
0xa4: {  	[sflag:s23] =	ssyncset.done $0x0  }
0xa5: {  	s25 =	simm.s32 $0x1B8E;
	s24 =	sld [smem:$0x3FFE];
	[sflag:s23] =	ssyncadd.s32 $0xFFFFFFFF  }
0xa6: {  	s26 =	simm.s32 $execute0_lowered;
	[smem:$0x3FD2] =	sst s25  }
0xa7: {  	s6 =	sshll.u32 s26, $0x1;
	_ =	strace $0x80000049;
	[dreg:$0x1] =	wrdreg $0xFFFFFFFF  }
0xa8: {  	s28 =	simm.s32 $_size_execute0_lowered;
	s4 =	sadd.s32 s4, s6;
	[dreg:$0x0] =	wrdreg $0x0  }
0xa9: {  	s6 =	sshll.u32 s28, $0x1;
	[dreg:$0x2] =	wrdreg s4  }
0xaa: {  	[dreg:$0x3] =	wrdreg s6  }
0xab: {  	[dreg:$0x4] =	wrdreg $0xC0  }
0xac: {  	_ =	task [dreg:s8], $0x5FFFF  }
0xad: {  	[dreg:$0x1] =	wrdreg $0xFFFFFFFF  }
0xae: {  	[dreg:$0x0] =	wrdreg $0x60  }
0xaf: {  	[dreg:$0x2] =	wrdreg s18  }
0xb0: {  	[dreg:$0x3] =	wrdreg s2  }
0xb1: {  	[dreg:$0x4] =	wrdreg s24  }
0xb2: {  	[dreg:$0x5] =	wrdreg $0xA8000  }
0xb3: {  	[dreg:$0x6] =	wrdreg $0x9  }
0xb4: {  	_ =	task.clear_ibuf [dreg:s8], $0x7FFFF;
	_ =	strace $0x90000049  }
0xb5: {  	s29 =	simm.s32 $0x9;
	_ =	strace $0x8000004B  }
0xb6: {  	_ =	swait.ge [sflag:s29], $0x1  }
0xb7: {  	[sflag:s29] =	ssyncadd.s32 $0xFFFFFFFF  }
0xb8: {  	_ =	strace $0x9000004B  }
0xb9: {  	_ =	sfence  }
0xba: {  	s30 =	sld [smem:$0x0];
	_ =	sdelay $0x2  }
0xbb: {  	s31 =	sshll.u32 s1, $0xD;
	s1 =	sshrl.u32 s1, $0x2  }
0xbc: {  	s3 =	sand.u32 $0x4000, s31;
	s1 =	sadd.s32 s1, s30  }
0xbd: {  	s0 =	sor.u32 s3, s0;
	s1 =	sshll.u32 s1, $0x11  }
0xbe: {  	s0 =	sor.u32 s1, s0  }
0xbf: {  	s0 =	sadd.s32 $0x8F2B, s0  }
0xc0: {  	[sflag:s0] =	ssyncadd.remote.s32 $0x1  }
0xc1: {  	_ =	sfence.sel $0xFFFF  }
0xc2: {  	[dreg:$0x0] =	wrdreg $0xFFFFFFFF;
	(pc) =	sbr.abs _section_cstart, $3  }
0xc3: {  	[dreg:$0x1] =	wrdreg $0xFFFFFFFF  }
0xc4: {  	_ =	task.clear_ibuf [dreg:s8], $0x2FFFF;
	_ =	strace $0x9FFFFFFF  }
0xc5: {  	(tm) =	ssettm $0x7FFFFFFF  }
tec
execute0_lowered:
.L_overlay_start_1:
0x0: {  	(tag) =	ssettag $0x1  }
0x1: {  	s1 =	rddreg [dreg:$0x0]  }
0x2: {  	s0 =	rddreg [dreg:$0x1]  }
0x3: {  	s4 =	rddreg [dreg:$0x2]  }
0x4: {  	s2 =	rddreg [dreg:$0x3];
	s5 =	srdreg.scid;
	s3 =	simm.s32 $0x0  }
0x5: {  	s17 =	stileid.u32;
	s18 =	simm.s32 $0x5;
	s19 =	simm.s32 $0x1  }
0x6: {  	s28 =	simm.s32 $0x2600;
	s29 =	simm.s32 $0x2580;
	s30 =	simm.s32 $0x2680  }
0x7: {  	s31 =	simm.s32 $0x0;
	s9 =	sand.u32 $0x1, s5;
	s20 =	smul.u32 $0x4E000, s17  }
0x8: {  	[smem:$0x7FF] =	sst s3;
	s4 =	sadd.s32 $0x1A00, s4;
	s14 =	smul.u32 $0x13800, s17  }
0x9: {  	s11 =	sadd.s32 $0x138000, s2;
	s15 =	sshll.u32 s17, $0x5;
	p0 =	sne.s32 s17, $0x0  }
0xa: {  	s5 =	sshll.u32 s9, $0x4;
	s6 =	ssub.s32 $0x2, s9;
	_ =	strace $0x8000004A  }
0xb: {  	s13 =	smul.u32 $0x138800, s9;
	s25 =	sor.u32 s17, s5;
	s7 =	sshrl.u32 s6, $0x1  }
0xc: {  	s21 =	sshrl.u32 s20, $0x2;
	s17 =	simm.s32 $0x2800;
	s20 =	simm.s32 $0x80  }
0xd: {  	s8 =	smul.u32 $0x9C0, s25;
	s16 =	ssub.s32 s6, s7;
	s6 =	sadd.s32 s21, s2  }
0xe: {  	s10 =	smul.u32 $0x4E00, s25;
	s14 =	sadd.s32 s14, s13;
	s24 =	sshrl.u32 s13, $0x3  }
0xf: {  	s21 =	simm.s32 $0x100;
	p1 =	sgt.u32 s25, $0x3;
	s25 =	simm.s32 $0x4  }
0x10: {  	s23 =	sadd.s32 $0x4000, s6;
	s9 =	sadd.s32 $0xC000, s6;
	s14 =	sshrl.u32 s14, $0x3  }
0x11: {  	s26 =	sadd.s32 s4, s24;
	s16 =	smax.u32 s16, $0x1;
	s24 =	simm.s32 $0x2  }
0x12: {  	s22 =	sadd.s32 s0, s8;
	[dreg:$0x6] =	wrdreg s23;
	s8 =	sadd.s32 $0x8000, s6  }
0x13: {  	s12 =	sshrl.u32 s10, $0x3;
	s10 =	sadd.s32 $0x10000, s6;
	s14 =	sadd.s32 s4, s14  }
0x14: {  	s23 =	simm.s32 $0x3;
	[dreg:$0x5] =	wrdreg s22;
	s12 =	sadd.s32 s0, s12  }
0x15: {  	s0 =	sadd.s32 s15, s0;
	s15 =	sadd.s32 $0x27000, s26;
	s22 =	simm.s32 $0x6800  }
0x16: {  	v0 =	vimm.f32 $0.0e+00;
	s26 =	simm.s32 $0x2480;
	s12 =	sadd.s32 $0x4E0, s12;
	s13 =	sadd.s32 $0x13800, s0  }
.LBB2_1:
0x17: {  	s0 =	rddreg [dreg:$0x5]  }
0x18: {  	[tilespmem:s3], [sflag:$0x1] =	stream.linear.gather [hbm4b:s0+s3], $0x2700, $0x38;
	[tilespmem:$0x1E080] =	vst v63  }
0x19: {  	s4 =	simm.s32 $0x200;
	s0 =	simm.s32 $0x0  }
.LBB2_2:
0x1a: {  	p2 =	sne.s32 s4, $0xFE00;
	[tilespmem:s0+$0x2870] =	vst v0  }
0x1b: {  	[tilespmem:s0+$0x2800] =	vst v0  }
0x1c: {  	[tilespmem:s0+$0x2810] =	vst v0  }
.Ltmp0:
0x1d: {  	[tilespmem:s0+$0x2820] =	vst v0;
	(pc) =	sbr.rel @p2 .LBB2_2-.Ltmp0, $4  }
0x1e: {  	[tilespmem:s0+$0x2830] =	vst v0  }
0x1f: {  	[tilespmem:s0+$0x2840] =	vst v0  }
0x20: {  	[tilespmem:s0+$0x2850] =	vst v0  }
0x21: {  	[tilespmem:s0+$0x2860] =	vst v0;
	s0 =	sshra.s32 s4, $0x2;
	s4 =	sadd.s32 $0x200, s4  }
0x22: {  	[tilespmem:s0+$0x2870] =	vst v0  }
0x23: {  	[tilespmem:s0+$0x2800] =	vst v0  }
0x24: {  	[tilespmem:s0+$0x2810] =	vst v0  }
0x25: {  	[tilespmem:s0+$0x2820] =	vst v0  }
0x26: {  	[tilespmem:s0+$0x2830] =	vst v0  }
0x27: {  	[tilespmem:s0+$0x2840] =	vst v0  }
0x28: {  	[tilespmem:s0+$0x2850] =	vst v0  }
0x29: {  	[tilespmem:s0+$0x2860] =	vst v0  }
0x2a: {  	[spmem:s6] =	stream.linear.scatter [tilespmem:s17], [sflag:$0x5], $0x4000, $0x38;
	[tilespmem:$0x1E080] =	vst v63  }
0x2b: {  	_ =	swait.ge [sflag:s18], $0x4000  }
0x2c: {  	[sflag:s18] =	ssyncset.done $0x0  }
0x2d: {  	s7 =	rddreg [dreg:$0x6];
	[sflag:s18] =	ssyncadd.s32 $0xFFFFC000  }
0x2e: {  	[spmem:s7] =	stream.linear.scatter [tilespmem:s17], [sflag:$0x5], $0x4000, $0x38;
	[tilespmem:$0x1E080] =	vst v63  }
0x2f: {  	_ =	swait.ge [sflag:s18], $0x4000  }
0x30: {  	[sflag:s18] =	ssyncset.done $0x0  }
0x31: {  	[sflag:s18] =	ssyncadd.s32 $0xFFFFC000  }
0x32: {  	[spmem:s8] =	stream.linear.scatter [tilespmem:s17], [sflag:$0x5], $0x4000, $0x38;
	[tilespmem:$0x1E080] =	vst v63  }
0x33: {  	_ =	swait.ge [sflag:s18], $0x4000  }
0x34: {  	[sflag:s18] =	ssyncset.done $0x0  }
0x35: {  	[sflag:s18] =	ssyncadd.s32 $0xFFFFC000  }
0x36: {  	[spmem:s9] =	stream.linear.scatter [tilespmem:s17], [sflag:$0x5], $0x4000, $0x38;
	[tilespmem:$0x1E080] =	vst v63  }
0x37: {  	_ =	swait.ge [sflag:s18], $0x4000  }
0x38: {  	[sflag:s18] =	ssyncset.done $0x0  }
0x39: {  	[sflag:s18] =	ssyncadd.s32 $0xFFFFC000  }
0x3a: {  	[spmem:s10] =	stream.linear.scatter [tilespmem:s17], [sflag:$0x5], $0x3800, $0x38;
	[tilespmem:$0x1E080] =	vst v63  }
0x3b: {  	_ =	swait.ge [sflag:s18], $0x3800  }
0x3c: {  	[sflag:s18] =	ssyncset.done $0x0  }
0x3d: {  	s0 =	simm.s32 @!p0 $0x2800;
	[sflag:s18] =	ssyncadd.s32 $0xFFFFC800  }
0x3e: {  	[spmem:s11] =	stream.linear.scatter @!p0 [tilespmem:s0], [sflag:$0x5], $0x800, $0x38;
	[tilespmem:$0x1E080] =	vst v63  }
0x3f: {  	s0 =	simm.s32 @!p0 $0x5  }
0x40: {  	_ =	swait.ge @!p0 [sflag:s0], $0x800  }
0x41: {  	[sflag:s0] =	ssyncset.done @!p0 $0x0  }
0x42: {  	[sflag:s0] =	ssyncadd.s32 @!p0 $0xFFFFF800  }
0x43: {  	[bflag:$0x0] =	sbarrier.arrive $0xFFFF  }
0x44: {  	_ =	swait.ge [sflag:s19], $0x2700  }
0x45: {  	[sflag:s19] =	ssyncset.done $0x0  }
0x46: {  	[sflag:s19] =	ssyncadd.s32 $0xFFFFD900  }
0x47: {  	[tilespmem:s17], [sflag:$0x1] =	stream.indirect.gather [hbm4b:s1+s20], $0x80, s3, s20, $0xb8;
	[tilespmem:$0x1E080] =	vst v63  }
0x48: {  	_ = 	snop  }
0x49: {  	[tilespmem:s22], [sflag:$0x2] =	stream.indirect.gather [hbm4b:s1+s20], $0x80, s21, s20, $0xb8;
	[tilespmem:$0x1E080] =	vst v63  }
0x4a: {  	_ =	swait.ge [sflag:s19], $0x4000  }
0x4b: {  	[sflag:s19] =	ssyncset.done $0x0  }
0x4c: {  	s4 =	simm.s32 $0x80;
	[sflag:s19] =	ssyncadd.s32 $0xFFFFC000  }
0x4d: {  	[spmem:s2] =	stream.indirect.scatter.add.f32 [tilespmem:s17], [sflag:$0x3], $0x80, s4, s20, $0xb8;
	[tilespmem:$0x1E080] =	vst v63  }
0x4e: {  	_ =	swait.ge [sflag:s23], $0x4000  }
0x4f: {  	[sflag:s23] =	ssyncset.done $0x0  }
0x50: {  	s5 =	simm.s32 $0x200;
	[sflag:s23] =	ssyncadd.s32 $0xFFFFC000  }
0x51: {  	[tilespmem:s17], [sflag:$0x1] =	stream.indirect.gather [hbm4b:s1+s20], $0x80, s5, s20, $0xb8;
	[tilespmem:$0x1E080] =	vst v63  }
0x52: {  	_ =	swait.ge [sflag:s24], $0x4000  }
0x53: {  	[sflag:s24] =	ssyncset.done $0x0  }
0x54: {  	s7 =	simm.s32 $0x180;
	[sflag:s24] =	ssyncadd.s32 $0xFFFFC000  }
0x55: {  	[spmem:s2] =	stream.indirect.scatter.add.f32 [tilespmem:s22], [sflag:$0x4], $0x80, s7, s20, $0xb8;
	[tilespmem:$0x1E080] =	vst v63  }
0x56: {  	_ =	swait.ge [sflag:s25], $0x4000  }
0x57: {  	[sflag:s25] =	ssyncset.done $0x0  }
0x58: {  	s0 =	simm.s32 $0xFFFF7800;
	s4 =	simm.s32 $0x300;
	[sflag:s25] =	ssyncadd.s32 $0xFFFFC000  }
.LBB2_4:
0x59: {  	[tilespmem:s22], [sflag:$0x2] =	stream.indirect.gather [hbm4b:s1+s20], $0x80, s4, s20, $0xb8;
	[tilespmem:$0x1E080] =	vst v63  }
0x5a: {  	s4 =	smov.u32 s0  }
0x5b: {  	p2 =	sne.s32 s0, $0xFFFFF800;
	s0 =	sadd.s32 $0x800, s0;
	_ =	swait.ge [sflag:s19], $0x4000  }
0x5c: {  	s4 =	sshra.s32 s4, $0x2;
	[sflag:s19] =	ssyncset.done $0x0  }
0x5d: {  	s5 =	sadd.s32 $0x2480, s4;
	[sflag:s19] =	ssyncadd.s32 $0xFFFFC000  }
0x5e: {  	[spmem:s2] =	stream.indirect.scatter.add.f32 [tilespmem:s17], [sflag:$0x3], $0x80, s5, s20, $0xb8;
	[tilespmem:$0x1E080] =	vst v63  }
0x5f: {  	_ =	swait.ge [sflag:s23], $0x4000  }
0x60: {  	[sflag:s23] =	ssyncset.done $0x0  }
0x61: {  	s5 =	sadd.s32 $0x2600, s4;
	[sflag:s23] =	ssyncadd.s32 $0xFFFFC000  }
0x62: {  	[tilespmem:s17], [sflag:$0x1] =	stream.indirect.gather [hbm4b:s1+s20], $0x80, s5, s20, $0xb8;
	[tilespmem:$0x1E080] =	vst v63  }
0x63: {  	_ =	swait.ge [sflag:s24], $0x4000  }
0x64: {  	[sflag:s24] =	ssyncset.done $0x0  }
.Ltmp1:
0x65: {  	s5 =	sadd.s32 $0x2580, s4;
	[sflag:s24] =	ssyncadd.s32 $0xFFFFC000;
	(pc) =	sbr.rel @p2 .LBB2_4-.Ltmp1, $4  }
0x66: {  	[spmem:s2] =	stream.indirect.scatter.add.f32 [tilespmem:s22], [sflag:$0x4], $0x80, s5, s20, $0xb8;
	[tilespmem:$0x1E080] =	vst v63  }
0x67: {  	_ =	swait.ge [sflag:s25], $0x4000  }
0x68: {  	[sflag:s25] =	ssyncset.done $0x0  }
0x69: {  	s4 =	sadd.s32 $0x2700, s4;
	[sflag:s25] =	ssyncadd.s32 $0xFFFFC000  }
0x6a: {  	[tilespmem:s22], [sflag:$0x2] =	stream.indirect.gather [hbm4b:s1+s20], $0x80, s4, s20, $0xb8;
	[tilespmem:$0x1E080] =	vst v63  }
0x6b: {  	_ =	swait.ge [sflag:s19], $0x4000  }
0x6c: {  	[sflag:s19] =	ssyncset.done $0x0  }
0x6d: {  	[sflag:s19] =	ssyncadd.s32 $0xFFFFC000  }
0x6e: {  	[spmem:s2] =	stream.indirect.scatter.add.f32 [tilespmem:s17], [sflag:$0x3], $0x80, s26, s20, $0xb8;
	[tilespmem:$0x1E080] =	vst v63  }
0x6f: {  	_ =	swait.ge [sflag:s23], $0x4000  }
0x70: {  	[sflag:s23] =	ssyncset.done $0x0  }
0x71: {  	[sflag:s23] =	ssyncadd.s32 $0xFFFFC000  }
0x72: {  	[tilespmem:s17], [sflag:$0x1] =	stream.indirect.gather [hbm4b:s1+s20], $0x80, s28, s20, $0xb8;
	[tilespmem:$0x1E080] =	vst v63  }
0x73: {  	_ =	swait.ge [sflag:s24], $0x4000  }
0x74: {  	[sflag:s24] =	ssyncset.done $0x0  }
0x75: {  	[sflag:s24] =	ssyncadd.s32 $0xFFFFC000  }
0x76: {  	[spmem:s2] =	stream.indirect.scatter.add.f32 [tilespmem:s22], [sflag:$0x4], $0x80, s29, s20, $0xb8;
	[tilespmem:$0x1E080] =	vst v63  }
0x77: {  	_ =	swait.ge [sflag:s25], $0x4000  }
0x78: {  	[sflag:s25] =	ssyncset.done $0x0  }
0x79: {  	[sflag:s25] =	ssyncadd.s32 $0xFFFFC000  }
0x7a: {  	_ =	swait.ge [sflag:s19], $0x4000  }
0x7b: {  	[sflag:s19] =	ssyncset.done $0x0  }
0x7c: {  	[sflag:s19] =	ssyncadd.s32 $0xFFFFC000  }
0x7d: {  	[spmem:s2] =	stream.indirect.scatter.add.f32 [tilespmem:s17], [sflag:$0x3], $0x80, s30, s20, $0xb8;
	[tilespmem:$0x1E080] =	vst v63  }
0x7e: {  	_ =	swait.ge [sflag:s23], $0x4000  }
0x7f: {  	[sflag:s23] =	ssyncset.done $0x0  }
0x80: {  	[sflag:s23] =	ssyncadd.s32 $0xFFFFC000  }
0x81: {  	[tilespmem:s3], [sflag:$0x5] =	stream.linear.gather [hbm4b:s12+s3], $0x2700, $0x38;
	[tilespmem:$0x1E080] =	vst v63  }
0x82: {  	_ =	swait.ge [sflag:s18], $0x2700  }
0x83: {  	[sflag:s18] =	ssyncset.done $0x0  }
0x84: {  	[sflag:s18] =	ssyncadd.s32 $0xFFFFD900  }
0x85: {  	[tilespmem:s17], [sflag:$0x1] =	stream.indirect.gather [hbm4b:s1+s20], $0x80, s3, s20, $0xb8;
	[tilespmem:$0x1E080] =	vst v63  }
0x86: {  	_ = 	snop  }
0x87: {  	[tilespmem:s22], [sflag:$0x2] =	stream.indirect.gather [hbm4b:s1+s20], $0x80, s21, s20, $0xb8;
	[tilespmem:$0x1E080] =	vst v63  }
0x88: {  	_ =	swait.ge [sflag:s19], $0x4000  }
0x89: {  	[sflag:s19] =	ssyncset.done $0x0  }
0x8a: {  	s0 =	simm.s32 $0x80;
	[sflag:s19] =	ssyncadd.s32 $0xFFFFC000  }
0x8b: {  	[spmem:s2] =	stream.indirect.scatter.add.f32 [tilespmem:s17], [sflag:$0x3], $0x80, s0, s20, $0xb8;
	[tilespmem:$0x1E080] =	vst v63  }
0x8c: {  	_ =	swait.ge [sflag:s23], $0x4000  }
0x8d: {  	[sflag:s23] =	ssyncset.done $0x0  }
0x8e: {  	s5 =	simm.s32 $0x200;
	[sflag:s23] =	ssyncadd.s32 $0xFFFFC000  }
0x8f: {  	[tilespmem:s17], [sflag:$0x1] =	stream.indirect.gather [hbm4b:s1+s20], $0x80, s5, s20, $0xb8;
	[tilespmem:$0x1E080] =	vst v63  }
0x90: {  	_ =	swait.ge [sflag:s24], $0x4000  }
0x91: {  	[sflag:s24] =	ssyncset.done $0x0  }
0x92: {  	s7 =	simm.s32 $0x180;
	[sflag:s24] =	ssyncadd.s32 $0xFFFFC000  }
0x93: {  	[spmem:s2] =	stream.indirect.scatter.add.f32 [tilespmem:s22], [sflag:$0x4], $0x80, s7, s20, $0xb8;
	[tilespmem:$0x1E080] =	vst v63  }
0x94: {  	_ =	swait.ge [sflag:s25], $0x4000  }
0x95: {  	[sflag:s25] =	ssyncset.done $0x0  }
0x96: {  	s4 =	simm.s32 $0x300;
	s0 =	simm.s32 $0xFFFF7800;
	[sflag:s25] =	ssyncadd.s32 $0xFFFFC000  }
.LBB2_6:
0x97: {  	[tilespmem:s22], [sflag:$0x2] =	stream.indirect.gather [hbm4b:s1+s20], $0x80, s4, s20, $0xb8;
	[tilespmem:$0x1E080] =	vst v63  }
0x98: {  	s4 =	smov.u32 s0  }
0x99: {  	p2 =	sne.s32 s0, $0xFFFFF800;
	s0 =	sadd.s32 $0x800, s0;
	_ =	swait.ge [sflag:s19], $0x4000  }
0x9a: {  	s4 =	sshra.s32 s4, $0x2;
	[sflag:s19] =	ssyncset.done $0x0  }
0x9b: {  	s5 =	sadd.s32 $0x2480, s4;
	[sflag:s19] =	ssyncadd.s32 $0xFFFFC000  }
0x9c: {  	[spmem:s2] =	stream.indirect.scatter.add.f32 [tilespmem:s17], [sflag:$0x3], $0x80, s5, s20, $0xb8;
	[tilespmem:$0x1E080] =	vst v63  }
0x9d: {  	_ =	swait.ge [sflag:s23], $0x4000  }
0x9e: {  	[sflag:s23] =	ssyncset.done $0x0  }
0x9f: {  	s5 =	sadd.s32 $0x2600, s4;
	[sflag:s23] =	ssyncadd.s32 $0xFFFFC000  }
0xa0: {  	[tilespmem:s17], [sflag:$0x1] =	stream.indirect.gather [hbm4b:s1+s20], $0x80, s5, s20, $0xb8;
	[tilespmem:$0x1E080] =	vst v63  }
0xa1: {  	_ =	swait.ge [sflag:s24], $0x4000  }
0xa2: {  	[sflag:s24] =	ssyncset.done $0x0  }
.Ltmp2:
0xa3: {  	s5 =	sadd.s32 $0x2580, s4;
	[sflag:s24] =	ssyncadd.s32 $0xFFFFC000;
	(pc) =	sbr.rel @p2 .LBB2_6-.Ltmp2, $4  }
0xa4: {  	[spmem:s2] =	stream.indirect.scatter.add.f32 [tilespmem:s22], [sflag:$0x4], $0x80, s5, s20, $0xb8;
	[tilespmem:$0x1E080] =	vst v63  }
0xa5: {  	_ =	swait.ge [sflag:s25], $0x4000  }
0xa6: {  	[sflag:s25] =	ssyncset.done $0x0  }
0xa7: {  	s4 =	sadd.s32 $0x2700, s4;
	[sflag:s25] =	ssyncadd.s32 $0xFFFFC000  }
0xa8: {  	[tilespmem:s22], [sflag:$0x2] =	stream.indirect.gather [hbm4b:s1+s20], $0x80, s4, s20, $0xb8;
	[tilespmem:$0x1E080] =	vst v63  }
0xa9: {  	_ =	swait.ge [sflag:s19], $0x4000  }
0xaa: {  	[sflag:s19] =	ssyncset.done $0x0  }
0xab: {  	[sflag:s19] =	ssyncadd.s32 $0xFFFFC000  }
0xac: {  	[spmem:s2] =	stream.indirect.scatter.add.f32 [tilespmem:s17], [sflag:$0x3], $0x80, s26, s20, $0xb8;
	[tilespmem:$0x1E080] =	vst v63  }
0xad: {  	_ =	swait.ge [sflag:s23], $0x4000  }
0xae: {  	[sflag:s23] =	ssyncset.done $0x0  }
0xaf: {  	[sflag:s23] =	ssyncadd.s32 $0xFFFFC000  }
0xb0: {  	[tilespmem:s17], [sflag:$0x1] =	stream.indirect.gather [hbm4b:s1+s20], $0x80, s28, s20, $0xb8;
	[tilespmem:$0x1E080] =	vst v63  }
0xb1: {  	_ =	swait.ge [sflag:s24], $0x4000  }
0xb2: {  	[sflag:s24] =	ssyncset.done $0x0  }
0xb3: {  	[sflag:s24] =	ssyncadd.s32 $0xFFFFC000  }
0xb4: {  	[spmem:s2] =	stream.indirect.scatter.add.f32 [tilespmem:s22], [sflag:$0x4], $0x80, s29, s20, $0xb8;
	[tilespmem:$0x1E080] =	vst v63  }
0xb5: {  	_ =	swait.ge [sflag:s25], $0x4000  }
0xb6: {  	[sflag:s25] =	ssyncset.done $0x0  }
0xb7: {  	[sflag:s25] =	ssyncadd.s32 $0xFFFFC000  }
0xb8: {  	_ =	swait.ge [sflag:s19], $0x4000  }
0xb9: {  	[sflag:s19] =	ssyncset.done $0x0  }
0xba: {  	[sflag:s19] =	ssyncadd.s32 $0xFFFFC000  }
0xbb: {  	[spmem:s2] =	stream.indirect.scatter.add.f32 [tilespmem:s17], [sflag:$0x3], $0x80, s30, s20, $0xb8;
	[tilespmem:$0x1E080] =	vst v63  }
0xbc: {  	_ =	swait.ge [sflag:s23], $0x4000  }
0xbd: {  	[sflag:s23] =	ssyncset.done $0x0  }
0xbe: {  	s0 =	simm.s32 @!p1 $0x0;
	s4 =	simm.s32 @!p1 $0x2700;
	[sflag:s23] =	ssyncadd.s32 $0xFFFFC000  }
0xbf: {  	[tilespmem:s4], [sflag:$0x5] =	stream.linear.gather @!p1 [hbm4b:s13+s0], $0x100, $0x38;
	[tilespmem:$0x1E080] =	vst v63  }
0xc0: {  	s0 =	simm.s32 @!p1 $0x5  }
0xc1: {  	_ =	swait.ge @!p1 [sflag:s0], $0x100  }
0xc2: {  	[sflag:s0] =	ssyncset.done @!p1 $0x0  }
0xc3: {  	s5 =	simm.s32 @!p1 $0x80;
	s7 =	simm.s32 @!p1 $0x2800;
	[sflag:s0] =	ssyncadd.s32 @!p1 $0xFFFFFF00  }
0xc4: {  	[tilespmem:s7], [sflag:$0x5] =	stream.indirect.gather @!p1 [hbm4b:s1+s5], $0x80, s4, s5, $0xb8;
	[tilespmem:$0x1E080] =	vst v63  }
0xc5: {  	_ =	swait.ge @!p1 [sflag:s0], $0x4000  }
0xc6: {  	[sflag:s0] =	ssyncset.done @!p1 $0x0  }
0xc7: {  	s4 =	simm.s32 @!p1 $0x2780;
	[sflag:s0] =	ssyncadd.s32 @!p1 $0xFFFFC000  }
0xc8: {  	[spmem:s2] =	stream.indirect.scatter.add.f32 @!p1 [tilespmem:s7], [sflag:$0x5], $0x80, s4, s5, $0xb8;
	[tilespmem:$0x1E080] =	vst v63  }
0xc9: {  	_ =	swait.ge @!p1 [sflag:s0], $0x4000  }
0xca: {  	s5 =	stileid.u32;
	[sflag:s0] =	ssyncset.done @!p1 $0x0  }
0xcb: {  	[sflag:s0] =	ssyncadd.s32 @!p1 $0xFFFFC000;
	s0 =	sshll.u32 s5, $0x6  }
0xcc: {  	s7 =	sshrl.u32 s6, $0x3;
	[bflag:$0x0] =	sbarrier.arrive $0xFFFF;
	s0 =	sor.u32 $0x1C05, s0  }
0xcd: {  	[hbm:s14], [sflag:s0] =	dma.local [spmem:s7], $0x2700  }
0xce: {  	_ =	swait.ge [sflag:s18], $0x2700  }
0xcf: {  	s31 =	sadd.s32 $0x1, s31;
	[sflag:s18] =	ssyncset.done $0x0  }
0xd0: {  	p2 =	sne.s32 s31, s16;
	s4 =	sshrl.u32 @!p0 s11, $0x3;
	[sflag:s18] =	ssyncadd.s32 $0xFFFFD900  }
0xd1: {  	[hbm:s15], [sflag:s0] =	dma.local @!p0 [spmem:s4], $0x100  }
.Ltmp3:
0xd2: {  	_ = 	snop;
	(pc) =	sbr.rel @p2 .LBB2_1-.Ltmp3, $4  }
0xd3: {  	s0 =	simm.s32 @!p0 $0x5  }
0xd4: {  	_ =	swait.ge @!p0 [sflag:s0], $0x100  }
0xd5: {  	[sflag:s0] =	ssyncset.done @!p0 $0x0  }
0xd6: {  	[sflag:s0] =	ssyncadd.s32 @!p0 $0xFFFFFF00  }
0xd7: {  	_ =	sfence.sel $0x180000  }
0xd8: {  	[bflag:$0x0] =	sbarrier.arrive $0xFFFF  }
0xd9: {  	_ =	strace $0x9000004A  }
0xda: {  	[bflag:$0x2] =	sbarrier.arrive $0xFFFF  }
0xdb: {  	s0 =	rddreg [dreg:$0x4]  }
0xdc: {  	s0 =	sadd.s32 @!p0 $0x100000, s0  }
0xdd: {  	[sflag:s0] =	ssyncadd.tile.s32 @!p0 $0x1;
	_ =	shalt  }
.Lfunc_end2:
_tile_overlayer_lowered:
.L_overlay_start_2:
0xde: {  	(tag) =	ssettag $0x2  }
0xdf: {  	s0 =	rddreg [dreg:$0x0];
	s2 =	stileid.u32  }
0xe0: {  	s1 =	rddreg [dreg:$0x1];
	p0 =	sne.s32 s2, $0x0  }
0xe1: {  	s3 =	rddreg [dreg:$0x2];
	[bflag:$0x3] =	sbarrier.arrive $0xFFFF;
	s2 =	simm.s32 @!p0 $0x1C05  }
0xe2: {  	[timem:s3], [sflag:s2] =	dma.local @!p0 [hbm:s0], s1  }
0xe3: {  	s0 =	simm.s32 @!p0 $0x5  }
0xe4: {  	_ =	swait.ge @!p0 [sflag:s0], s1  }
0xe5: {  	s1 =	ssub.s32 @!p0 $0x0, s1;
	[sflag:s0] =	ssyncset.done @!p0 $0x0  }
0xe6: {  	[sflag:s0] =	ssyncadd.s32 @!p0 s1  }
0xe7: {  	[bflag:$0x3] =	sbarrier.arrive $0xFFFF  }
0xe8: {  	_ =	shalt  }

// kernel: kernel.7.cloned.1.call-start
scs
__scs_entry_jumppad:
0x0: {  	(pc) =	sbr.rel $0x88, $3  }
0x1: {  	(tag) =	ssettag $0x0;
	lr =	simm.s32 $0x1  }
0x2: {  	[smem:$0x3F9B] =	sst lr;
	_ =	strace $0xD0000000  }
0x3: {  	_ = 	snop  }
0x4: {  	_ = 	snop  }
0x5: {  	_ = 	snop  }
0x6: {  	_ = 	snop  }
0x7: {  	_ = 	snop  }
__scs_overlays_trampoline_lowered:
0x8: {  	[smem:$0x3FAA] =	sst s0  }
0x9: {  	[smem:$0x3FAB] =	sst s1  }
0xa: {  	[smem:$0x3FAC] =	sst s2  }
0xb: {  	[smem:$0x3FAD] =	sst s3  }
0xc: {  	[smem:$0x3FAE] =	sst s4  }
0xd: {  	[smem:$0x3FAF] =	sst s5  }
0xe: {  	[smem:$0x3FB0] =	sst s6  }
0xf: {  	[smem:$0x3FB1] =	sst s7  }
0x10: {  	[smem:$0x3FB2] =	sst s8  }
0x11: {  	[smem:$0x3FB3] =	sst s9;
	s0 =	simm.s32 @!p0 $0x0  }
0x12: {  	s1 =	sld [smem:$0x3F99];
	s0 =	simm.s32 @p0 $0x1  }
0x13: {  	[smem:$0x3FB4] =	sst s0;
	s0 =	simm.s32 @!p1 $0x0  }
0x14: {  	s2 =	sld [smem:$0x3F98];
	s0 =	simm.s32 @p1 $0x1  }
0x15: {  	[smem:$0x3FB5] =	sst s0;
	s0 =	simm.s32 @!p2 $0x0  }
0x16: {  	s3 =	sld [smem:$0x3FDB];
	s0 =	simm.s32 @p2 $0x1  }
0x17: {  	s4 =	simm.s32 $0x1BF5;
	[smem:$0x3FB7] =	sst s0  }
0x18: {  	s0 =	sld [smem:$0x3F9A];
	_ =	swait.ge [sflag:s4], $0x0  }
0x19: {  	s7 =	sld [smem:$0x3F9B]  }
0x1a: {  	s8 =	sadd.s32 $0xFFFFE003, lr  }
0x1b: {  	s9 =	sadd.s32 $0xFFFFFEF7, lr;
	s5 =	simm.s32 $0xFFFFFFFF;
	p2 =	slt.u32 s8, $0xFFFFF086  }
0x1c: {  	p1 =	slt.u32 s9, $0xF7A;
	s5 =	simm.s32 @!p2 $0x0  }
0x1d: {  	s5 =	simm.s32 @p1 $0x1;
	p0 =	seq.s32 s7, s2  }
0x1e: {  	s7 =	smul.u32 @!p0 $0xF7A, s2;
	p2 =	seq.s32 @!p0 s5, $0x0  }
0x1f: {  	s9 =	smul.u32 $0xF7A, s1;
	s8 =	simm.s32 @!p0 $0x1BF5;
	p2 =	por !p2, p0  }
0x20: {  	[sflag:s8] =	ssyncset.s32 @!p0 $0xFFFFF086;
	s6 =	sadd.s32 @!p0 s3, s7;
	s7 =	simm.s32 @!p0 $0x108  }
0x21: {  	s3 =	sadd.s32 s3, s9;
	s6 =	sadd.s32 @!p0 $0x88, s6;
	s7 =	simm.s32 @p2 $0x1082  }
0x22: {  	[simem:s7], [sflag:s8] =	dma.local @!p0 [hbm:s6], $0xF7A  }
0x23: {  	s9 =	sor.u32 $0xD0000000, s2;
	s6 =	simm.s32 $0x108;
	_ =	swait.ge @!p0 [sflag:s8], $0x0  }
0x24: {  	s3 =	sadd.s32 $0x88, s3;
	s6 =	simm.s32 @!p1 $0x1082;
	[sflag:s4] =	ssyncset.s32 $0xFFFFF086  }
0x25: {  	[simem:s6], [sflag:s4] =	dma.local [hbm:s3], $0xF7A  }
0x26: {  	[smem:$0x3F9B] =	sst s1;
	(tag) =	ssettag s2;
	_ =	strace s9  }
0x27: {  	s1 =	sld [smem:$0x3FAB]  }
0x28: {  	s2 =	sld [smem:$0x3FAC]  }
0x29: {  	s4 =	sld [smem:$0x3FAE]  }
0x2a: {  	p0 =	seq.s32 s5, $0x0;
	s5 =	sld [smem:$0x3FAF]  }
0x2b: {  	s6 =	sld [smem:$0x3FB0]  }
0x2c: {  	s7 =	sld [smem:$0x3FB1]  }
0x2d: {  	s3 =	simm.s32 $0x108;
	s8 =	sld [smem:$0x3FB2]  }
0x2e: {  	s3 =	simm.s32 @!p0 $0x1082;
	s9 =	sld [smem:$0x3FB3]  }
0x2f: {  	lr =	sadd.s32 s0, s3;
	s0 =	sld [smem:$0x3FAA]  }
0x30: {  	s3 =	sld [smem:$0x3FAD]  }
0x31: {  	[smem:$0x3FB6] =	sst s10  }
0x32: {  	s10 =	sld [smem:$0x3FB4];
	_ =	sdelay $0x3  }
0x33: {  	p0 =	seq.s32 s10, $0x1;
	s10 =	sld [smem:$0x3FB6];
	_ =	sdelay $0x3  }
0x34: {  	[smem:$0x3FB6] =	sst s10  }
0x35: {  	s10 =	sld [smem:$0x3FB5];
	_ =	sdelay $0x3  }
0x36: {  	p1 =	seq.s32 s10, $0x1;
	s10 =	sld [smem:$0x3FB6];
	_ =	sdelay $0x3  }
0x37: {  	[smem:$0x3FB6] =	sst s10  }
0x38: {  	s10 =	sld [smem:$0x3FB7]  }
0x39: {  	_ = 	snop;
	(pc) =	sbr.ind lr, $3  }
0x3a: {  	_ = 	snop  }
0x3b: {  	_ = 	snop  }
0x3c: {  	p2 =	seq.s32 s10, $0x1;
	s10 =	sld [smem:$0x3FB6]  }
0x3d: {  	_ =	shalt  }
0x3e: {  	_ =	shalt  }
0x3f: {  	_ =	shalt  }
0x40: {  	_ =	shalt  }
0x41: {  	_ =	shalt  }
0x42: {  	_ =	shalt  }
0x43: {  	_ =	shalt  }
0x44: {  	_ =	shalt  }
0x45: {  	_ =	shalt  }
0x46: {  	_ =	shalt  }
0x47: {  	_ =	shalt  }
0x48: {  	_ =	shalt  }
0x49: {  	_ =	shalt  }
0x4a: {  	_ =	shalt  }
0x4b: {  	_ =	shalt  }
0x4c: {  	_ =	shalt  }
0x4d: {  	_ =	shalt  }
0x4e: {  	_ =	shalt  }
0x4f: {  	_ =	shalt  }
0x50: {  	_ =	shalt  }
0x51: {  	_ =	shalt  }
0x52: {  	_ =	shalt  }
0x53: {  	_ =	shalt  }
0x54: {  	_ =	shalt  }
0x55: {  	_ =	shalt  }
0x56: {  	_ =	shalt  }
0x57: {  	_ =	shalt  }
0x58: {  	_ =	shalt  }
0x59: {  	_ =	shalt  }
0x5a: {  	_ =	shalt  }
0x5b: {  	_ =	shalt  }
0x5c: {  	_ =	shalt  }
0x5d: {  	_ =	shalt  }
0x5e: {  	_ =	shalt  }
0x5f: {  	_ =	shalt  }
0x60: {  	_ =	shalt  }
0x61: {  	_ =	shalt  }
0x62: {  	_ =	shalt  }
0x63: {  	_ =	shalt  }
0x64: {  	_ =	shalt  }
0x65: {  	_ =	shalt  }
0x66: {  	_ =	shalt  }
0x67: {  	_ =	shalt  }
0x68: {  	_ =	shalt  }
0x69: {  	_ =	shalt  }
0x6a: {  	_ =	shalt  }
0x6b: {  	_ =	shalt  }
0x6c: {  	_ =	shalt  }
0x6d: {  	_ =	shalt  }
0x6e: {  	_ =	shalt  }
0x6f: {  	_ =	shalt  }
0x70: {  	_ =	shalt  }
0x71: {  	_ =	shalt  }
0x72: {  	_ =	shalt  }
0x73: {  	_ =	shalt  }
0x74: {  	_ =	shalt  }
0x75: {  	_ =	shalt  }
0x76: {  	_ =	shalt  }
0x77: {  	_ =	shalt  }
0x78: {  	_ =	shalt  }
0x79: {  	_ =	shalt  }
0x7a: {  	_ =	shalt  }
0x7b: {  	_ =	shalt  }
0x7c: {  	_ =	shalt  }
0x7d: {  	_ =	shalt  }
0x7e: {  	_ =	shalt  }
0x7f: {  	_ =	shalt  }
0x80: {  	_ =	shalt  }
0x81: {  	_ =	shalt  }
0x82: {  	_ =	shalt  }
0x83: {  	_ =	shalt  }
0x84: {  	_ =	shalt  }
0x85: {  	_ =	shalt  }
0x86: {  	_ =	shalt  }
0x87: {  	_ =	shalt  }
.Lfunc_end0:
.L_simem_size_0:
called_computation_lowered:
.L_overlay_start_0:
0x88: {  	s2 =	sld [smem:$0x3FD9]  }
0x89: {  	s3 =	sld [smem:$0x3FFE];
	_ =	sdelay $0x1  }
0x8a: {  	s1 =	srdreg.scid  }
0x8b: {  	s0 =	sand.u32 $0x1, s1  }
0x8c: {  	s18 =	sshll.u32 s0, $0xA;
	s2 =	sadd.s32 s3, s2  }
0x8d: {  	s2 =	sadd.s32 s2, s18  }
0x8e: {  	[smem:$0x3FC2] =	sst s2  }
0x8f: {  	_ = 	snop  }
0x90: {  	s2 =	sld [smem:$0x3FC8]  }
0x91: {  	s19 =	sld [smem:$0x3FD0];
	(tm) =	ssettm $0x1  }
0x92: {  	s4 =	sld [smem:$0x3FFB];
	_ =	sdelay $0x3  }
0x93: {  	_ =	strace s4  }
0x94: {  	s4 =	sld [smem:$0x3FFC];
	_ =	sdelay $0x3  }
0x95: {  	_ =	strace s4  }
0x96: {  	s4 =	sld [smem:$0x3FFD];
	_ =	sdelay $0x3  }
0x97: {  	_ =	strace s4  }
0x98: {  	_ =	strace $0x8FFFFFFF  }
0x99: {  	s20 =	sld [smem:$0x3FDB];
	_ =	sdelay $0x1  }
0x9a: {  	s5 =	simm.s32 $_scs_section_size  }
0x9b: {  	s6 =	simm.s32 $_size__tile_overlayer_lowered;
	s7 =	simm.s32 $_tile_overlayer_lowered  }
0x9c: {  	s23 =	simm.s32 $0x1BFF;
	s22 =	sshll.u32 s7, $0x1;
	s4 =	sadd.s32 s5, s20  }
0x9d: {  	s8 =	simm.s32 $0x0;
	s21 =	sshll.u32 s6, $0x1;
	s6 =	sadd.s32 s22, s4  }
0x9e: {  	[timem:s8], [sflag:s23] =	dma.local [hbm:s6], s21  }
0x9f: {  	_ =	swait.ge [sflag:s23], s21  }
0xa0: {  	s5 =	ssub.s32 $0x0, s21;
	[sflag:s23] =	ssyncset.done $0x0  }
0xa1: {  	[sflag:s23] =	ssyncadd.s32 s5;
	_ =	sdelay $0x1  }
0xa2: {  	s24 =	simm.s32 $0x1B8B  }
0xa3: {  	_ =	swait.ge [sflag:s24], $0x1  }
0xa4: {  	[sflag:s24] =	ssyncset.done $0x0  }
0xa5: {  	s25 =	simm.s32 $0x1B8E;
	[sflag:s24] =	ssyncadd.s32 $0xFFFFFFFF  }
0xa6: {  	s26 =	simm.s32 $execute0_lowered;
	[smem:$0x3FD2] =	sst s25  }
0xa7: {  	s5 =	sshll.u32 s26, $0x1;
	_ =	strace $0x80000046;
	[dreg:$0x1] =	wrdreg $0xFFFFFFFF  }
0xa8: {  	s28 =	simm.s32 $_size_execute0_lowered;
	s4 =	sadd.s32 s4, s5;
	[dreg:$0x0] =	wrdreg $0x0  }
0xa9: {  	s5 =	sshll.u32 s28, $0x1;
	[dreg:$0x2] =	wrdreg s4  }
0xaa: {  	[dreg:$0x3] =	wrdreg s5  }
0xab: {  	[dreg:$0x4] =	wrdreg $0xC0  }
0xac: {  	_ =	task [dreg:s8], $0x5FFFF  }
0xad: {  	[dreg:$0x1] =	wrdreg $0xFFFFFFFF  }
0xae: {  	[dreg:$0x0] =	wrdreg $0x60  }
0xaf: {  	[dreg:$0x2] =	wrdreg s2  }
0xb0: {  	[dreg:$0x3] =	wrdreg s19  }
0xb1: {  	[dreg:$0x4] =	wrdreg $0x9  }
0xb2: {  	_ =	task.clear_ibuf [dreg:s8], $0x5FFFF;
	_ =	strace $0x90000046  }
0xb3: {  	s29 =	simm.s32 $0x9;
	_ =	strace $0x80000048  }
0xb4: {  	_ =	swait.ge [sflag:s29], $0x1  }
0xb5: {  	[sflag:s29] =	ssyncadd.s32 $0xFFFFFFFF  }
0xb6: {  	_ =	strace $0x90000048  }
0xb7: {  	_ =	sfence  }
0xb8: {  	s30 =	sld [smem:$0x0];
	_ =	sdelay $0x2  }
0xb9: {  	s31 =	sshll.u32 s1, $0xD;
	s1 =	sshrl.u32 s1, $0x2  }
0xba: {  	s3 =	sand.u32 $0x4000, s31;
	s1 =	sadd.s32 s1, s30  }
0xbb: {  	s0 =	sor.u32 s3, s0;
	s1 =	sshll.u32 s1, $0x11  }
0xbc: {  	s0 =	sor.u32 s1, s0  }
0xbd: {  	s0 =	sadd.s32 $0x8F2B, s0  }
0xbe: {  	[sflag:s0] =	ssyncadd.remote.s32 $0x1  }
0xbf: {  	_ =	sfence.sel $0xFFFF  }
0xc0: {  	[dreg:$0x0] =	wrdreg $0xFFFFFFFF;
	(pc) =	sbr.abs _section_cstart, $3  }
0xc1: {  	[dreg:$0x1] =	wrdreg $0xFFFFFFFF  }
0xc2: {  	_ =	task.clear_ibuf [dreg:s8], $0x2FFFF;
	_ =	strace $0x9FFFFFFF  }
0xc3: {  	(tm) =	ssettm $0x7FFFFFFF  }
tec
execute0_lowered:
.L_overlay_start_1:
0x0: {  	(tag) =	ssettag $0x1  }
0x1: {  	s3 =	rddreg [dreg:$0x0]  }
0x2: {  	s0 =	srdreg.scid;
	s5 =	rddreg [dreg:$0x1]  }
0x3: {  	s1 =	stileid.u32;
	s2 =	simm.s32 $0x0;
	s10 =	simm.s32 $0x7680  }
0x4: {  	s12 =	simm.s32 $0x100;
	s4 =	sand.u32 $0x1, s0;
	s0 =	rddreg [dreg:$0x2]  }
0x5: {  	s13 =	simm.s32 $0x0;
	[smem:$0x7FF] =	sst s2;
	s6 =	sshll.u32 s4, $0x4  }
0x6: {  	s8 =	sshll.u32 s1, $0x5;
	s4 =	ssub.s32 $0x2, s4;
	s11 =	sor.u32 s1, s6  }
0x7: {  	_ =	strace $0x80000047;
	s31 =	sadd.s32 s8, s3;
	s6 =	smul.u32 $0x9C0, s11  }
0x8: {  	s8 =	simm.s32 $0x1;
	s7 =	sshrl.u32 s4, $0x1;
	s9 =	smul.u32 $0x9E0, s11  }
0x9: {  	s7 =	ssub.s32 s4, s7;
	s4 =	sadd.s32 $0x13800, s31;
	p0 =	sgt.u32 s11, $0x3  }
0xa: {  	s11 =	simm.s32 $0x80;
	s7 =	smax.u32 s7, $0x1;
	s5 =	sadd.s32 s5, s9  }
0xb: {  	v0 =	vimm.f32 $0.0e+00;
	v1 =	vimm.f32 $1.000000000e+00;
	s3 =	sadd.s32 s3, s6;
	s9 =	simm.s32 $0x4F00;
	s6 =	sadd.s32 $0x10, s5  }
.LBB2_1:
0xc: {  	[tilespmem:s2], [sflag:$0x1] =	stream.linear.gather [hbm4b:s3+s2], $0x4E00, $0x38;
	[tilespmem:$0x9E00] =	vst v63  }
0xd: {  	_ =	swait.ge [sflag:s8], $0x4E00  }
0xe: {  	[sflag:s8] =	ssyncset.done $0x0  }
0xf: {  	s14 =	simm.s32 $0x0;
	[sflag:s8] =	ssyncadd.s32 $0xFFFFB200  }
.LBB2_2:
0x10: {  	p1 =	sne.s32 s14, $0x9C00  }
.Ltmp0:
0x11: {  	_ = 	snop;
	(pc) =	sbr.rel @p1 .LBB2_2-.Ltmp0, $4  }
0x12: {  	_ = 	snop  }
0x13: {  	s15 =	sshra.s32 s14, $0x2  }
0x14: {  	[tilespmem:s15+$0x4F00] =	vst v0  }
0x15: {  	s14 =	sadd.s32 $0x40, s14;
	[tilespmem:s15+$0x7680] =	vst v0  }
0x16: {  	s14 =	simm.s32 $0x0;
	p1 =	por $0x0, $0x0;
	s15 =	simm.s32 $0x0  }
.LBB2_4:
0x17: {  	s16 =	sand.u32 $0x40, s15;
	s17 =	sand.u32 $0x7F00, s14  }
0x18: {  	s16 =	sor.u32 s16, s17  }
0x19: {  	v2 =	vld [tilespmem:s16+$0x0];
	_ =	sdelay $0x3  }
0x1a: {  	s17 =	simm.s32 $0x1  }
0x1b: {  	s17 =	simm.s32 @!p1 $0x0  }
0x1c: {  	s17 =	sshll.u32 s17, $0x6  }
0x1d: {  	s17 =	sadd.s32 s17, s14  }
0x1e: {  	s18 =	sor.u32 $0x80, s17;
	[tilespmem:v2+s9+$0x0] =	vst.idx.add.f32.msk $0xffff, v1  }
0x1f: {  	v2 =	vld [tilespmem:s18+$0x0];
	_ =	sdelay $0x7  }
0x20: {  	[tilespmem:v2+s10+$0x0] =	vst.idx.add.f32.msk $0xffff, v1  }
0x21: {  	v2 =	vld [tilespmem:s16+$0x10];
	_ =	sdelay $0x6  }
0x22: {  	s29 =	sadd.s32 $0x10, s17  }
0x23: {  	s18 =	sor.u32 $0x80, s29;
	[tilespmem:v2+s9+$0x0] =	vst.idx.add.f32.msk $0xffff, v1  }
0x24: {  	v2 =	vld [tilespmem:s18+$0x0];
	_ =	sdelay $0x7  }
0x25: {  	[tilespmem:v2+s10+$0x0] =	vst.idx.add.f32.msk $0xffff, v1  }
0x26: {  	v2 =	vld [tilespmem:s16+$0x20];
	_ =	sdelay $0x6  }
0x27: {  	s30 =	sadd.s32 $0x20, s17  }
0x28: {  	s18 =	sor.u32 $0x80, s30;
	[tilespmem:v2+s9+$0x0] =	vst.idx.add.f32.msk $0xffff, v1  }
0x29: {  	v2 =	vld [tilespmem:s18+$0x0];
	_ =	sdelay $0x7  }
0x2a: {  	[tilespmem:v2+s10+$0x0] =	vst.idx.add.f32.msk $0xffff, v1  }
0x2b: {  	v2 =	vld [tilespmem:s16+$0x30];
	_ =	sdelay $0x6  }
0x2c: {  	s31 =	sadd.s32 $0x30, s17  }
0x2d: {  	s16 =	sor.u32 $0x80, s31;
	[tilespmem:v2+s9+$0x0] =	vst.idx.add.f32.msk $0xffff, v1  }
0x2e: {  	v2 =	vld [tilespmem:s16+$0x0];
	_ =	sdelay $0x2  }
0x2f: {  	p2 =	sne.s32 s15, $0x26C0  }
.Ltmp1:
0x30: {  	_ = 	snop;
	(pc) =	sbr.rel @p2 .LBB2_4-.Ltmp1, $2  }
0x31: {  	_ =	sdelay $0x2  }
0x32: {  	s15 =	sadd.s32 $0x40, s15;
	p1 =	por !p1, !p1;
	s14 =	sadd.s32 $0x80, s14;
	[tilespmem:v2+s10+$0x0] =	vst.idx.add.f32.msk $0xffff, v1  }
0x33: {  	s14 =	simm.s32 @!p0 $0x0;
	s15 =	simm.s32 @!p0 $0x4E00  }
0x34: {  	[tilespmem:s15], [sflag:$0x1] =	stream.linear.gather @!p0 [hbm4b:s4+s14], $0x100, $0x38;
	[tilespmem:$0x9E00] =	vst v63  }
0x35: {  	s14 =	simm.s32 @!p0 $0x1  }
0x36: {  	_ =	swait.ge @!p0 [sflag:s14], $0x100  }
0x37: {  	[sflag:s14] =	ssyncset.done @!p0 $0x0  }
0x38: {  	[sflag:s14] =	ssyncadd.s32 @!p0 $0xFFFFFF00  }
0x39: {  	v2 =	vld @!p0 [tilespmem:$0x4E00];
	_ =	sdelay $0x6  }
0x3a: {  	v3 =	vimm.f32 @!p0 $1.000000000e+00;
	s14 =	simm.s32 @!p0 $0x4F00  }
0x3b: {  	[tilespmem:v2+s14+$0x0] =	vst.idx.add.f32.msk @!p0 $0xffff, v3  }
0x3c: {  	v2 =	vld @!p0 [tilespmem:$0x4E80];
	_ =	sdelay $0x6  }
0x3d: {  	s15 =	simm.s32 @!p0 $0x7680  }
0x3e: {  	[tilespmem:v2+s15+$0x0] =	vst.idx.add.f32.msk @!p0 $0xffff, v3  }
0x3f: {  	v2 =	vld @!p0 [tilespmem:$0x4E10];
	_ =	sdelay $0x7  }
0x40: {  	[tilespmem:v2+s14+$0x0] =	vst.idx.add.f32.msk @!p0 $0xffff, v3  }
0x41: {  	v2 =	vld @!p0 [tilespmem:$0x4E90];
	_ =	sdelay $0x7  }
0x42: {  	[tilespmem:v2+s15+$0x0] =	vst.idx.add.f32.msk @!p0 $0xffff, v3  }
0x43: {  	v2 =	vld @!p0 [tilespmem:$0x4E20];
	_ =	sdelay $0x7  }
0x44: {  	[tilespmem:v2+s14+$0x0] =	vst.idx.add.f32.msk @!p0 $0xffff, v3  }
0x45: {  	v2 =	vld @!p0 [tilespmem:$0x4EA0];
	_ =	sdelay $0x7  }
0x46: {  	[tilespmem:v2+s15+$0x0] =	vst.idx.add.f32.msk @!p0 $0xffff, v3  }
0x47: {  	v2 =	vld @!p0 [tilespmem:$0x4E30];
	_ =	sdelay $0x7  }
0x48: {  	[tilespmem:v2+s14+$0x0] =	vst.idx.add.f32.msk @!p0 $0xffff, v3  }
0x49: {  	v2 =	vld @!p0 [tilespmem:$0x4EB0];
	_ =	sdelay $0x7  }
0x4a: {  	[tilespmem:v2+s15+$0x0] =	vst.idx.add.f32.msk @!p0 $0xffff, v3  }
0x4b: {  	v2 =	vld @!p0 [tilespmem:$0x4E40];
	_ =	sdelay $0x7  }
0x4c: {  	[tilespmem:v2+s14+$0x0] =	vst.idx.add.f32.msk @!p0 $0xffff, v3  }
0x4d: {  	v2 =	vld @!p0 [tilespmem:$0x4EC0];
	_ =	sdelay $0x7  }
0x4e: {  	[tilespmem:v2+s15+$0x0] =	vst.idx.add.f32.msk @!p0 $0xffff, v3  }
0x4f: {  	v2 =	vld @!p0 [tilespmem:$0x4E50];
	_ =	sdelay $0x7  }
0x50: {  	[tilespmem:v2+s14+$0x0] =	vst.idx.add.f32.msk @!p0 $0xffff, v3  }
0x51: {  	v2 =	vld @!p0 [tilespmem:$0x4ED0];
	_ =	sdelay $0x7  }
0x52: {  	[tilespmem:v2+s15+$0x0] =	vst.idx.add.f32.msk @!p0 $0xffff, v3  }
0x53: {  	v2 =	vld @!p0 [tilespmem:$0x4E60];
	_ =	sdelay $0x7  }
0x54: {  	[tilespmem:v2+s14+$0x0] =	vst.idx.add.f32.msk @!p0 $0xffff, v3  }
0x55: {  	v2 =	vld @!p0 [tilespmem:$0x4EE0];
	_ =	sdelay $0x7  }
0x56: {  	[tilespmem:v2+s15+$0x0] =	vst.idx.add.f32.msk @!p0 $0xffff, v3  }
0x57: {  	v2 =	vld @!p0 [tilespmem:$0x4E70];
	_ =	sdelay $0x7  }
0x58: {  	[tilespmem:v2+s14+$0x0] =	vst.idx.add.f32.msk @!p0 $0xffff, v3  }
0x59: {  	v2 =	vld @!p0 [tilespmem:$0x4EF0];
	_ =	sdelay $0x7  }
0x5a: {  	[tilespmem:v2+s15+$0x0] =	vst.idx.add.f32.msk @!p0 $0xffff, v3  }
0x5b: {  	[hbm4b:s5+s11] =	stream.strided.scatter [tilespmem:s9], [sflag:$0x1], $0x2780, s12, s11, $0x38;
	[tilespmem:$0x9E00] =	vst v63  }
0x5c: {  	s13 =	sadd.s32 $0x1, s13;
	_ =	swait.ge [sflag:s8], $0x2780  }
0x5d: {  	p1 =	sne.s32 s13, s7;
	[sflag:s8] =	ssyncset.done $0x0  }
.Ltmp2:
0x5e: {  	[sflag:s8] =	ssyncadd.s32 $0xFFFFD880;
	(pc) =	sbr.rel @p1 .LBB2_1-.Ltmp2, $4  }
0x5f: {  	[hbm4b:s6+s11] =	stream.strided.scatter [tilespmem:s10], [sflag:$0x1], $0x2780, s12, s11, $0x38;
	[tilespmem:$0x9E00] =	vst v63  }
0x60: {  	_ =	swait.ge [sflag:s8], $0x2780  }
0x61: {  	[sflag:s8] =	ssyncset.done $0x0  }
0x62: {  	[sflag:s8] =	ssyncadd.s32 $0xFFFFD880  }
0x63: {  	_ =	sfence.sel $0x180000  }
0x64: {  	[bflag:$0x0] =	sbarrier.arrive $0xFFFF  }
0x65: {  	p0 =	sne.s32 s1, $0x0;
	_ =	strace $0x90000047  }
0x66: {  	s0 =	sadd.s32 @!p0 $0x100000, s0;
	[bflag:$0x2] =	sbarrier.arrive $0xFFFF  }
0x67: {  	[sflag:s0] =	ssyncadd.tile.s32 @!p0 $0x1;
	_ =	shalt  }
.Lfunc_end2:
_tile_overlayer_lowered:
.L_overlay_start_2:
0x68: {  	(tag) =	ssettag $0x2  }
0x69: {  	s0 =	rddreg [dreg:$0x0];
	s2 =	stileid.u32  }
0x6a: {  	s1 =	rddreg [dreg:$0x1];
	p0 =	sne.s32 s2, $0x0  }
0x6b: {  	s3 =	rddreg [dreg:$0x2];
	[bflag:$0x3] =	sbarrier.arrive $0xFFFF;
	s2 =	simm.s32 @!p0 $0x1C01  }
0x6c: {  	[timem:s3], [sflag:s2] =	dma.local @!p0 [hbm:s0], s1  }
0x6d: {  	s0 =	simm.s32 @!p0 $0x1  }
0x6e: {  	_ =	swait.ge @!p0 [sflag:s0], s1  }
0x6f: {  	s1 =	ssub.s32 @!p0 $0x0, s1;
	[sflag:s0] =	ssyncset.done @!p0 $0x0  }
0x70: {  	[sflag:s0] =	ssyncadd.s32 @!p0 s1  }
0x71: {  	[bflag:$0x3] =	sbarrier.arrive $0xFFFF  }
0x72: {  	_ =	shalt  }

</sc_bundles>
